<compile_context>
chip_gen: v7x
topology: tpu7x:2x2x1
jax: 0.10.2.dev20260603
libtpu: 0.0.44.dev20260713+nightly
codegen_flags: <defaults>
</compile_context>

<pallas_src>
import jax
import jax.numpy as jnp
from jax import lax
from jax.experimental import pallas as pl
from jax.experimental.pallas import tpu as pltpu
from jax.experimental.pallas import tpu_sc as plsc

N = 4096
B = 16384
D = 128
M = B - N
NC, NS, L = 2, 16, 16
HALF = N // NC
RPW = HALF // NS
TPW = M // NS
CH = TPW // L


def _reservoir_body(
    samples_hbm, idx_hbm, out_hbm, idx_v, loc_v, stripe_v, src_v, rows_v, shared, sem
):
    c = lax.axis_index("c")
    s = lax.axis_index("s")
    half_base = c * HALF
    base = half_base + s * RPW
    lane = lax.iota(jnp.int32, L)

    pltpu.sync_copy(idx_hbm.at[pl.ds(s * TPW, TPW)], idx_v)

    def init(g, carry):
        loc_v[pl.ds(g * L, L)] = half_base + g * L + lane
        return carry

    lax.fori_loop(0, HALF // L, init, 0)

    def body(k, carry):
        iv = idx_v[pl.ds(k * L, L)]
        tv = N + s * TPW + k * L + lane
        rel = iv - half_base
        valid = (rel >= 0) & (rel < HALF)
        key = jnp.where(valid, rel * L, HALF * L) + lane
        k_s, t_s = plsc.sort_key_val(key, tv)
        rel_s = lax.shift_right_arithmetic(k_s, 4)
        valid_s = k_s < HALF * L
        nxt = lax.gather(
            k_s,
            jnp.minimum(lane + 1, L - 1)[:, None],
            lax.GatherDimensionNumbers(
                offset_dims=(), collapsed_slice_dims=(0,), start_index_map=(0,)
            ),
            slice_sizes=(1,),
            mode=lax.GatherScatterMode.PROMISE_IN_BOUNDS,
        )
        winner = (rel_s != lax.shift_right_arithmetic(nxt, 4)) | (lane == L - 1)
        mask = winner & valid_s
        plsc.store_scatter(loc_v, [jnp.where(valid_s, rel_s, 0)], t_s, mask=mask)
        return carry

    lax.fori_loop(0, CH, body, 0)

    pltpu.sync_copy(loc_v, shared.at[s])
    plsc.subcore_barrier()
    pltpu.sync_copy(shared.at[:, pl.ds(s * RPW, RPW)], stripe_v)

    for g in range(RPW // L):
        acc = stripe_v[0, pl.ds(g * L, L)]
        for r in range(1, NS):
            acc = jnp.maximum(acc, stripe_v[r, pl.ds(g * L, L)])
        src_v[pl.ds(g * L, L)] = acc

    pltpu.async_copy(samples_hbm.at[src_v], rows_v, sem).wait()
    pltpu.sync_copy(rows_v, out_hbm.at[pl.ds(base, RPW)])


def kernel(samples):
    samples = lax.stop_gradient(samples)
    rng = jax.random.key(42)
    t = jnp.arange(M)
    keys = jax.vmap(lambda tt: jax.random.fold_in(rng, tt))(t)
    idx = jax.vmap(lambda k, mx: jax.random.randint(k, (), 0, mx))(keys, N + t + 1)
    idx = idx.astype(jnp.int32)

    mesh = plsc.VectorSubcoreMesh(
        core_axis_name="c", subcore_axis_name="s", num_cores=NC, num_subcores=NS
    )
    run = pl.kernel(
        _reservoir_body,
        out_type=jax.ShapeDtypeStruct((N, D), jnp.float32),
        mesh=mesh,
        compiler_params=pltpu.CompilerParams(needs_layout_passes=False),
        scratch_types=[
            pltpu.VMEM((TPW,), jnp.int32),
            pltpu.VMEM((HALF,), jnp.int32),
            pltpu.VMEM((NS, RPW), jnp.int32),
            pltpu.VMEM((RPW,), jnp.int32),
            pltpu.VMEM((RPW, D), jnp.float32),
            pltpu.VMEM_SHARED((NS, HALF), jnp.int32),
            pltpu.SemaphoreType.DMA,
        ],
    )
    return run(samples, idx)

# --- scband reference (transcript-rebuilt; emitter-appended) ---
"""Pipeline reference for scband-reservoir-sampler-19396072309108 (READ-ONLY COPY).

The authoritative reference and input builder live on the scoring server;
editing this copy changes nothing except your own understanding.
"""

import jax, jax.numpy as jnp
import numpy as np

NUM_SAMPLES = 4096


def setup_inputs(seed: int = 0) -> dict:
    key = jax.random.key(seed)
    samples = jax.random.normal(key, (16384, 128), dtype=jnp.float32)
    return {"samples": samples}


def reference(samples):
    # Faithful translation of ReservoirSampler.add(samples) starting from a
    # fresh (reset) sampler, followed by .contents().
    n = NUM_SAMPLES
    d = samples.shape[-1]
    b = samples.shape[0]
    # samples.detach()
    samples = jax.lax.stop_gradient(samples)
    # buffer = torch.empty(n, d) -> materialize as zeros (uninitialized in torch)
    buffer = jnp.zeros((n, d), dtype=samples.dtype)
    # i == 0 < n: fill first `slots = n` entries from samples
    take = min(n, b)
    buffer = buffer.at[:take].set(samples[:take])
    i0 = take
    rest = samples[take:]
    m = rest.shape[0]
    # reservoir replacement loop: for each remaining sample s,
    #   idx = random.randint(0, i)  (inclusive); i += 1; if idx < n: buffer[idx] = s
    rng = jax.random.key(42)

    def body(t, buf):
        idx = jax.random.randint(jax.random.fold_in(rng, t), (), 0, i0 + t + 1)
        s = rest[t]
        buf = jax.lax.cond(idx < n, lambda bb: bb.at[idx].set(s), lambda bb: bb, buf)
        return buf

    buffer = jax.lax.fori_loop(0, m, body, buffer)
    i_final = i0 + m
    # contents(): buffer[:i]; i_final >= n so this is the full buffer
    return buffer[: min(i_final, n)]

if __name__ == "__main__":
    import jax
    _d = setup_inputs()
    print(jax.jit(kernel)(*tuple(_d.values())))

</pallas_src>

<mosaic_0001>
#map = affine_map<(d0, d1) -> (0, 0)>
#map1 = affine_map<(d0, d1) -> (0)>
module attributes {stable_mosaic.version = 14 : i64} {
  func.func @_reservoir_body(%arg0: i32, %arg1: i32, %arg2: memref<16384x128xf32, #tpu.memory_space<hbm>>, %arg3: memref<12288xi32, #tpu.memory_space<hbm>>, %arg4: memref<4096x128xf32, #tpu.memory_space<hbm>>, %arg5: memref<768xi32, #tpu.memory_space<vmem>>, %arg6: memref<2048xi32, #tpu.memory_space<vmem>>, %arg7: memref<16x128xi32, #tpu.memory_space<vmem>>, %arg8: memref<128xi32, #tpu.memory_space<vmem>>, %arg9: memref<128x128xf32, #tpu.memory_space<vmem>>, %arg10: memref<16x2048xi32, #tpu.memory_space<vmem_shared>>, %arg11: memref<!tpu.dma_semaphore, #tpu.memory_space<semaphore_mem>>) attributes {dimension_semantics = [#tpu.dimension_semantics<core_parallel>, #tpu.dimension_semantics<subcore_parallel>], iteration_bounds = array<i64: 2, 16>, scalar_prefetch = 0 : i64, scratch_operands = 7 : i64, tpu.core_type = #tpu.core_type<sc_vector_subcore>, window_params = [{transform_indices = #map}, {transform_indices = #map1}, {transform_indices = #map}]} {
    %mul3A = arith.constant 2048 : i32
    %mul3A_0 = arith.muli %arg0, %mul3A : i32
    %mul3A_1 = arith.constant 128 : i32
    %mul3A_2 = arith.muli %arg1, %mul3A_1 : i32
    %add3A = arith.addi %mul3A_0, %mul3A_2 : i32
    %iota3A = tpu.iota {dimensions = array<i32: 0>} : vector<16xi32>
    %mul3A_3 = arith.constant 768 : i32
    %mul3A_4 = arith.muli %arg1, %mul3A_3 : i32
    "tpu.region"() ({
      %run_scoped3A = tpu.sem_alloc : memref<!tpu.dma_semaphore, #tpu.memory_space<semaphore_mem>>
      %dma_start3A_667 = tpu.memref_slice %arg3[%mul3A_4] : memref<12288xi32, #tpu.memory_space<hbm>> -> memref<768xi32, #tpu.memory_space<hbm>>
      %dma_start3A_668 = tpu.memref_slice %arg3[%mul3A_4] : memref<12288xi32, #tpu.memory_space<hbm>> -> memref<768xi32, #tpu.memory_space<hbm>>
      tpu.enqueue_dma source(%dma_start3A_668 : memref<768xi32, #tpu.memory_space<hbm>>) target(%arg5 : memref<768xi32, #tpu.memory_space<vmem>>) target_semaphore(%run_scoped3A : memref<!tpu.dma_semaphore, #tpu.memory_space<semaphore_mem>>)
      %dma_wait3A_669 = tpu.memref_slice %arg3[%mul3A_4] : memref<12288xi32, #tpu.memory_space<hbm>> -> memref<768xi32, #tpu.memory_space<hbm>>
      %dma_wait3A_670 = tpu.memref_slice %arg3[%mul3A_4] : memref<12288xi32, #tpu.memory_space<hbm>> -> memref<768xi32, #tpu.memory_space<hbm>>
      tpu.wait_dma2 semaphore(%run_scoped3A : memref<!tpu.dma_semaphore, #tpu.memory_space<semaphore_mem>>) src(%dma_wait3A_670 : memref<768xi32, #tpu.memory_space<hbm>>) dst(%arg5 : memref<768xi32, #tpu.memory_space<vmem>>)
      tpu.yield
    }) : () -> ()
    %scan3A = arith.constant 0 : i32
    %scan3A_5 = arith.constant 0 : i32
    %scan3A_6 = arith.constant 128 : i32
    %scan3A_7 = arith.addi %scan3A_5, %scan3A_6 : i32
    %scan3A_8 = arith.constant 1 : i32
    scf.for %scan3A_667 = %scan3A_5 to %scan3A_7 step %scan3A_8  : i32 {
      %mul3A_668 = arith.constant 16 : i32
      %mul3A_669 = arith.muli %scan3A_667, %mul3A_668 : i32
      %add3A_670 = arith.addi %mul3A_0, %mul3A_669 : i32
      %add3A_671 = vector.broadcast %add3A_670 : i32 to vector<16xi32>
      %add3A_672 = arith.addi %add3A_671, %iota3A : vector<16xi32>
      %mul3A_673 = arith.constant 16 : i32
      %mul3A_674 = arith.muli %scan3A_667, %mul3A_673 : i32
      %swap3A_675 = arith.index_cast %mul3A_674 : i32 to index
      %swap3A_676 = tpu.vector_load %arg6[%swap3A_675] {strides = array<i32>} : memref<2048xi32, #tpu.memory_space<vmem>>, vector<16xi32>,
      tpu.vector_store %arg6[%swap3A_675], %add3A_672 {strides = array<i32>} : memref<2048xi32, #tpu.memory_space<vmem>>, vector<16xi32>,
    }
    %scan3A_9 = arith.constant 128 : i32
    %scan3A_10 = arith.constant 0 : i32
    %scan3A_11 = arith.constant 0 : i32
    %scan3A_12 = arith.constant 48 : i32
    %scan3A_13 = arith.addi %scan3A_11, %scan3A_12 : i32
    %scan3A_14 = arith.constant 1 : i32
    scf.for %scan3A_667 = %scan3A_11 to %scan3A_13 step %scan3A_14  : i32 {
      %mul3A_668 = arith.constant 16 : i32
      %mul3A_669 = arith.muli %scan3A_667, %mul3A_668 : i32
      %get3A_670 = arith.index_cast %mul3A_669 : i32 to index
      %get3A_671 = tpu.vector_load %arg5[%get3A_670] {strides = array<i32>} : memref<768xi32, #tpu.memory_space<vmem>>, vector<16xi32>,
      %mul3A_672 = arith.constant 768 : i32
      %mul3A_673 = arith.muli %arg1, %mul3A_672 : i32
      %add3A_674 = arith.constant 4096 : i32
      %add3A_675 = arith.addi %add3A_674, %mul3A_673 : i32
      %mul3A_676 = arith.constant 16 : i32
      %mul3A_677 = arith.muli %scan3A_667, %mul3A_676 : i32
      %add3A_678 = arith.addi %add3A_675, %mul3A_677 : i32
      %add3A_679 = vector.broadcast %add3A_678 : i32 to vector<16xi32>
      %add3A_680 = arith.addi %add3A_679, %iota3A : vector<16xi32>
      %sub3A = vector.broadcast %mul3A_0 : i32 to vector<16xi32>
      %sub3A_681 = arith.subi %get3A_671, %sub3A : vector<16xi32>
      %ge3A = arith.constant 0 : i32
      %ge3A_682 = vector.broadcast %ge3A : i32 to vector<16xi32>
      %ge3A_683 = arith.cmpi sge, %sub3A_681, %ge3A_682 : vector<16xi32>
      %lt3A = arith.constant 2048 : i32
      %lt3A_684 = vector.broadcast %lt3A : i32 to vector<16xi32>
      %lt3A_685 = arith.cmpi slt, %sub3A_681, %lt3A_684 : vector<16xi32>
      %and3A = arith.andi %ge3A_683, %lt3A_685 : vector<16xi1>
      %mul3A_686 = arith.constant 16 : i32
      %mul3A_687 = vector.broadcast %mul3A_686 : i32 to vector<16xi32>
      %mul3A_688 = arith.muli %sub3A_681, %mul3A_687 : vector<16xi32>
      %jit3A = arith.constant 32768 : i32
      %broadcast_in_dim3A = vector.broadcast %jit3A : i32 to vector<16xi32>
      %select_n3A = arith.select %and3A, %mul3A_688, %broadcast_in_dim3A : vector<16xi1>, vector<16xi32>
      %add3A_689 = arith.addi %select_n3A, %iota3A : vector<16xi32>
      %masked_sort3A = arith.constant dense<true> : vector<16xi1>
      %masked_sort3A_690 = arith.constant -2147483648 : i32
      %masked_sort3A_691 = vector.broadcast %masked_sort3A_690 : i32 to vector<16xi32>
      %masked_sort3A_692 = arith.xori %add3A_689, %masked_sort3A_691 : vector<16xi32>
      %masked_sort3A_693, %masked_sort3A_694, %masked_sort3A_695 = tpu.sort %masked_sort3A_692, %add3A_680 masked %masked_sort3A : (vector<16xi32>, vector<16xi32>, vector<16xi1>) -> (vector<16xi1>, vector<16xi32>, vector<16xi32>)
      %masked_sort3A_696 = arith.xori %masked_sort3A_694, %masked_sort3A_691 : vector<16xi32>
      %shift_right_arithmetic3A = arith.constant 4 : i32
      %shift_right_arithmetic3A_697 = vector.broadcast %shift_right_arithmetic3A : i32 to vector<16xi32>
      %shift_right_arithmetic3A_698 = arith.shrsi %masked_sort3A_696, %shift_right_arithmetic3A_697 : vector<16xi32>
      %lt3A_699 = arith.constant 32768 : i32
      %lt3A_700 = vector.broadcast %lt3A_699 : i32 to vector<16xi32>
      %lt3A_701 = arith.cmpi slt, %masked_sort3A_696, %lt3A_700 : vector<16xi32>
      %add3A_702 = arith.constant 1 : i32
      %add3A_703 = vector.broadcast %add3A_702 : i32 to vector<16xi32>
      %add3A_704 = arith.addi %iota3A, %add3A_703 : vector<16xi32>
      %min3A = arith.constant 15 : i32
      %min3A_705 = vector.broadcast %min3A : i32 to vector<16xi32>
      %min3A_706 = arith.minsi %add3A_704, %min3A_705 : vector<16xi32>
      %broadcast_in_dim3A_707 = vector.shape_cast %min3A_706 : vector<16xi32> to vector<16x1xi32>
      %gather3A = vector.shape_cast %broadcast_in_dim3A_707 : vector<16x1xi32> to vector<16xi32>
      %gather3A_708 = tpu.dynamic_gather %masked_sort3A_696[%gather3A] in [0] : vector<16xi32>, vector<16xi32> -> vector<16xi32>
      %shift_right_arithmetic3A_709 = arith.constant 4 : i32
      %shift_right_arithmetic3A_710 = vector.broadcast %shift_right_arithmetic3A_709 : i32 to vector<16xi32>
      %shift_right_arithmetic3A_711 = arith.shrsi %gather3A_708, %shift_right_arithmetic3A_710 : vector<16xi32>
      %ne3A = arith.cmpi ne, %shift_right_arithmetic3A_698, %shift_right_arithmetic3A_711 : vector<16xi32>
      %eq3A = arith.constant 15 : i32
      %eq3A_712 = vector.broadcast %eq3A : i32 to vector<16xi32>
      %eq3A_713 = arith.cmpi eq, %iota3A, %eq3A_712 : vector<16xi32>
      %or3A = arith.ori %ne3A, %eq3A_713 : vector<16xi1>
      %and3A_714 = arith.andi %or3A, %lt3A_701 : vector<16xi1>
      %jit3A_715 = arith.constant 0 : i32
      %broadcast_in_dim3A_716 = vector.broadcast %jit3A_715 : i32 to vector<16xi32>
      %select_n3A_717 = arith.select %lt3A_701, %shift_right_arithmetic3A_698, %broadcast_in_dim3A_716 : vector<16xi1>, vector<16xi32>
      tpu.vector_store_idx %arg6[%select_n3A_717], %masked_sort3A_695 masked %and3A_714 : memref<2048xi32, #tpu.memory_space<vmem>>[vector<16xi32>], vector<16xi32>, vector<16xi1>
    }
    %scan3A_15 = arith.constant 48 : i32
    "tpu.region"() ({
      %run_scoped3A = tpu.sem_alloc : memref<!tpu.dma_semaphore, #tpu.memory_space<semaphore_mem>>
      %dma_start3A_667 = arith.constant 0 : i32
      %dma_start3A_668 = tpu.memref_slice %arg10[%arg1, %dma_start3A_667] : memref<16x2048xi32, #tpu.memory_space<vmem_shared>> -> memref<1x2048xi32, #tpu.memory_space<vmem_shared>>
      %dma_start3A_669 = tpu.memref_squeeze %dma_start3A_668 : memref<1x2048xi32, #tpu.memory_space<vmem_shared>> -> memref<2048xi32, #tpu.memory_space<vmem_shared>>
      %dma_start3A_670 = arith.constant 0 : i32
      %dma_start3A_671 = tpu.memref_slice %arg10[%arg1, %dma_start3A_670] : memref<16x2048xi32, #tpu.memory_space<vmem_shared>> -> memref<1x2048xi32, #tpu.memory_space<vmem_shared>>
      %dma_start3A_672 = tpu.memref_squeeze %dma_start3A_671 : memref<1x2048xi32, #tpu.memory_space<vmem_shared>> -> memref<2048xi32, #tpu.memory_space<vmem_shared>>
      tpu.enqueue_dma source(%arg6 : memref<2048xi32, #tpu.memory_space<vmem>>) target(%dma_start3A_672 : memref<2048xi32, #tpu.memory_space<vmem_shared>>) target_semaphore(%run_scoped3A : memref<!tpu.dma_semaphore, #tpu.memory_space<semaphore_mem>>)
      %dma_wait3A_673 = arith.constant 0 : i32
      %dma_wait3A_674 = tpu.memref_slice %arg10[%arg1, %dma_wait3A_673] : memref<16x2048xi32, #tpu.memory_space<vmem_shared>> -> memref<1x2048xi32, #tpu.memory_space<vmem_shared>>
      %dma_wait3A_675 = tpu.memref_squeeze %dma_wait3A_674 : memref<1x2048xi32, #tpu.memory_space<vmem_shared>> -> memref<2048xi32, #tpu.memory_space<vmem_shared>>
      %dma_wait3A_676 = arith.constant 0 : i32
      %dma_wait3A_677 = tpu.memref_slice %arg10[%arg1, %dma_wait3A_676] : memref<16x2048xi32, #tpu.memory_space<vmem_shared>> -> memref<1x2048xi32, #tpu.memory_space<vmem_shared>>
      %dma_wait3A_678 = tpu.memref_squeeze %dma_wait3A_677 : memref<1x2048xi32, #tpu.memory_space<vmem_shared>> -> memref<2048xi32, #tpu.memory_space<vmem_shared>>
      tpu.wait_dma2 semaphore(%run_scoped3A : memref<!tpu.dma_semaphore, #tpu.memory_space<semaphore_mem>>) src(%arg6 : memref<2048xi32, #tpu.memory_space<vmem>>) dst(%dma_wait3A_678 : memref<2048xi32, #tpu.memory_space<vmem_shared>>)
      tpu.yield
    }) : () -> ()
    %barrier3A = arith.constant 0 : index
    tpu.barrier barrier_id(%barrier3A)
    %mul3A_16 = arith.constant 128 : i32
    %mul3A_17 = arith.muli %arg1, %mul3A_16 : i32
    "tpu.region"() ({
      %run_scoped3A = tpu.sem_alloc : memref<!tpu.dma_semaphore, #tpu.memory_space<semaphore_mem>>
      %dma_start3A_667 = arith.constant 0 : i32
      %dma_start3A_668 = tpu.memref_slice %arg10[%dma_start3A_667, %mul3A_17] : memref<16x2048xi32, #tpu.memory_space<vmem_shared>> -> memref<16x128xi32, #tpu.memory_space<vmem_shared>>
      %dma_start3A_669 = arith.constant 0 : i32
      %dma_start3A_670 = tpu.memref_slice %arg10[%dma_start3A_669, %mul3A_17] : memref<16x2048xi32, #tpu.memory_space<vmem_shared>> -> memref<16x128xi32, #tpu.memory_space<vmem_shared>>
      tpu.enqueue_dma source(%dma_start3A_670 : memref<16x128xi32, #tpu.memory_space<vmem_shared>>) target(%arg7 : memref<16x128xi32, #tpu.memory_space<vmem>>) target_semaphore(%run_scoped3A : memref<!tpu.dma_semaphore, #tpu.memory_space<semaphore_mem>>)
      %dma_wait3A_671 = arith.constant 0 : i32
      %dma_wait3A_672 = tpu.memref_slice %arg10[%dma_wait3A_671, %mul3A_17] : memref<16x2048xi32, #tpu.memory_space<vmem_shared>> -> memref<16x128xi32, #tpu.memory_space<vmem_shared>>
      %dma_wait3A_673 = arith.constant 0 : i32
      %dma_wait3A_674 = tpu.memref_slice %arg10[%dma_wait3A_673, %mul3A_17] : memref<16x2048xi32, #tpu.memory_space<vmem_shared>> -> memref<16x128xi32, #tpu.memory_space<vmem_shared>>
      tpu.wait_dma2 semaphore(%run_scoped3A : memref<!tpu.dma_semaphore, #tpu.memory_space<semaphore_mem>>) src(%dma_wait3A_674 : memref<16x128xi32, #tpu.memory_space<vmem_shared>>) dst(%arg7 : memref<16x128xi32, #tpu.memory_space<vmem>>)
      tpu.yield
    }) : () -> ()
    %get3A = arith.constant 0 : i32
    %get3A_18 = arith.index_cast %get3A : i32 to index
    %get3A_19 = arith.constant 0 : index
    %get3A_20 = tpu.vector_load %arg7[%get3A_18, %get3A_19] {strides = array<i32>} : memref<16x128xi32, #tpu.memory_space<vmem>>, vector<16xi32>,
    %get3A_21 = arith.constant 1 : i32
    %get3A_22 = arith.index_cast %get3A_21 : i32 to index
    %get3A_23 = arith.constant 0 : index
    %get3A_24 = tpu.vector_load %arg7[%get3A_22, %get3A_23] {strides = array<i32>} : memref<16x128xi32, #tpu.memory_space<vmem>>, vector<16xi32>,
    %max3A = arith.maxsi %get3A_20, %get3A_24 : vector<16xi32>
    %get3A_25 = arith.constant 2 : i32
    %get3A_26 = arith.index_cast %get3A_25 : i32 to index
    %get3A_27 = arith.constant 0 : index
    %get3A_28 = tpu.vector_load %arg7[%get3A_26, %get3A_27] {strides = array<i32>} : memref<16x128xi32, #tpu.memory_space<vmem>>, vector<16xi32>,
    %max3A_29 = arith.maxsi %max3A, %get3A_28 : vector<16xi32>
    %get3A_30 = arith.constant 3 : i32
    %get3A_31 = arith.index_cast %get3A_30 : i32 to index
    %get3A_32 = arith.constant 0 : index
    %get3A_33 = tpu.vector_load %arg7[%get3A_31, %get3A_32] {strides = array<i32>} : memref<16x128xi32, #tpu.memory_space<vmem>>, vector<16xi32>,
    %max3A_34 = arith.maxsi %max3A_29, %get3A_33 : vector<16xi32>
    %get3A_35 = arith.constant 4 : i32
    %get3A_36 = arith.index_cast %get3A_35 : i32 to index
    %get3A_37 = arith.constant 0 : index
    %get3A_38 = tpu.vector_load %arg7[%get3A_36, %get3A_37] {strides = array<i32>} : memref<16x128xi32, #tpu.memory_space<vmem>>, vector<16xi32>,
    %max3A_39 = arith.maxsi %max3A_34, %get3A_38 : vector<16xi32>
    %get3A_40 = arith.constant 5 : i32
    %get3A_41 = arith.index_cast %get3A_40 : i32 to index
    %get3A_42 = arith.constant 0 : index
    %get3A_43 = tpu.vector_load %arg7[%get3A_41, %get3A_42] {strides = array<i32>} : memref<16x128xi32, #tpu.memory_space<vmem>>, vector<16xi32>,
    %max3A_44 = arith.maxsi %max3A_39, %get3A_43 : vector<16xi32>
    %get3A_45 = arith.constant 6 : i32
    %get3A_46 = arith.index_cast %get3A_45 : i32 to index
    %get3A_47 = arith.constant 0 : index
    %get3A_48 = tpu.vector_load %arg7[%get3A_46, %get3A_47] {strides = array<i32>} : memref<16x128xi32, #tpu.memory_space<vmem>>, vector<16xi32>,
    %max3A_49 = arith.maxsi %max3A_44, %get3A_48 : vector<16xi32>
    %get3A_50 = arith.constant 7 : i32
    %get3A_51 = arith.index_cast %get3A_50 : i32 to index
    %get3A_52 = arith.constant 0 : index
    %get3A_53 = tpu.vector_load %arg7[%get3A_51, %get3A_52] {strides = array<i32>} : memref<16x128xi32, #tpu.memory_space<vmem>>, vector<16xi32>,
    %max3A_54 = arith.maxsi %max3A_49, %get3A_53 : vector<16xi32>
    %get3A_55 = arith.constant 8 : i32
    %get3A_56 = arith.index_cast %get3A_55 : i32 to index
    %get3A_57 = arith.constant 0 : index
    %get3A_58 = tpu.vector_load %arg7[%get3A_56, %get3A_57] {strides = array<i32>} : memref<16x128xi32, #tpu.memory_space<vmem>>, vector<16xi32>,
    %max3A_59 = arith.maxsi %max3A_54, %get3A_58 : vector<16xi32>
    %get3A_60 = arith.constant 9 : i32
    %get3A_61 = arith.index_cast %get3A_60 : i32 to index
    %get3A_62 = arith.constant 0 : index
    %get3A_63 = tpu.vector_load %arg7[%get3A_61, %get3A_62] {strides = array<i32>} : memref<16x128xi32, #tpu.memory_space<vmem>>, vector<16xi32>,
    %max3A_64 = arith.maxsi %max3A_59, %get3A_63 : vector<16xi32>
    %get3A_65 = arith.constant 10 : i32
    %get3A_66 = arith.index_cast %get3A_65 : i32 to index
    %get3A_67 = arith.constant 0 : index
    %get3A_68 = tpu.vector_load %arg7[%get3A_66, %get3A_67] {strides = array<i32>} : memref<16x128xi32, #tpu.memory_space<vmem>>, vector<16xi32>,
    %max3A_69 = arith.maxsi %max3A_64, %get3A_68 : vector<16xi32>
    %get3A_70 = arith.constant 11 : i32
    %get3A_71 = arith.index_cast %get3A_70 : i32 to index
    %get3A_72 = arith.constant 0 : index
    %get3A_73 = tpu.vector_load %arg7[%get3A_71, %get3A_72] {strides = array<i32>} : memref<16x128xi32, #tpu.memory_space<vmem>>, vector<16xi32>,
    %max3A_74 = arith.maxsi %max3A_69, %get3A_73 : vector<16xi32>
    %get3A_75 = arith.constant 12 : i32
    %get3A_76 = arith.index_cast %get3A_75 : i32 to index
    %get3A_77 = arith.constant 0 : index
    %get3A_78 = tpu.vector_load %arg7[%get3A_76, %get3A_77] {strides = array<i32>} : memref<16x128xi32, #tpu.memory_space<vmem>>, vector<16xi32>,
    %max3A_79 = arith.maxsi %max3A_74, %get3A_78 : vector<16xi32>
    %get3A_80 = arith.constant 13 : i32
    %get3A_81 = arith.index_cast %get3A_80 : i32 to index
    %get3A_82 = arith.constant 0 : index
    %get3A_83 = tpu.vector_load %arg7[%get3A_81, %get3A_82] {strides = array<i32>} : memref<16x128xi32, #tpu.memory_space<vmem>>, vector<16xi32>,
    %max3A_84 = arith.maxsi %max3A_79, %get3A_83 : vector<16xi32>
    %get3A_85 = arith.constant 14 : i32
    %get3A_86 = arith.index_cast %get3A_85 : i32 to index
    %get3A_87 = arith.constant 0 : index
    %get3A_88 = tpu.vector_load %arg7[%get3A_86, %get3A_87] {strides = array<i32>} : memref<16x128xi32, #tpu.memory_space<vmem>>, vector<16xi32>,
    %max3A_89 = arith.maxsi %max3A_84, %get3A_88 : vector<16xi32>
    %get3A_90 = arith.constant 15 : i32
    %get3A_91 = arith.index_cast %get3A_90 : i32 to index
    %get3A_92 = arith.constant 0 : index
    %get3A_93 = tpu.vector_load %arg7[%get3A_91, %get3A_92] {strides = array<i32>} : memref<16x128xi32, #tpu.memory_space<vmem>>, vector<16xi32>,
    %max3A_94 = arith.maxsi %max3A_89, %get3A_93 : vector<16xi32>
    %swap3A = arith.constant 0 : index
    %swap3A_95 = tpu.vector_load %arg8[%swap3A] {strides = array<i32>} : memref<128xi32, #tpu.memory_space<vmem>>, vector<16xi32>,
    tpu.vector_store %arg8[%swap3A], %max3A_94 {strides = array<i32>} : memref<128xi32, #tpu.memory_space<vmem>>, vector<16xi32>,
    %get3A_96 = arith.constant 0 : i32
    %get3A_97 = arith.index_cast %get3A_96 : i32 to index
    %get3A_98 = arith.constant 16 : index
    %get3A_99 = tpu.vector_load %arg7[%get3A_97, %get3A_98] {strides = array<i32>} : memref<16x128xi32, #tpu.memory_space<vmem>>, vector<16xi32>,
    %get3A_100 = arith.constant 1 : i32
    %get3A_101 = arith.index_cast %get3A_100 : i32 to index
    %get3A_102 = arith.constant 16 : index
    %get3A_103 = tpu.vector_load %arg7[%get3A_101, %get3A_102] {strides = array<i32>} : memref<16x128xi32, #tpu.memory_space<vmem>>, vector<16xi32>,
    %max3A_104 = arith.maxsi %get3A_99, %get3A_103 : vector<16xi32>
    %get3A_105 = arith.constant 2 : i32
    %get3A_106 = arith.index_cast %get3A_105 : i32 to index
    %get3A_107 = arith.constant 16 : index
    %get3A_108 = tpu.vector_load %arg7[%get3A_106, %get3A_107] {strides = array<i32>} : memref<16x128xi32, #tpu.memory_space<vmem>>, vector<16xi32>,
    %max3A_109 = arith.maxsi %max3A_104, %get3A_108 : vector<16xi32>
    %get3A_110 = arith.constant 3 : i32
    %get3A_111 = arith.index_cast %get3A_110 : i32 to index
    %get3A_112 = arith.constant 16 : index
    %get3A_113 = tpu.vector_load %arg7[%get3A_111, %get3A_112] {strides = array<i32>} : memref<16x128xi32, #tpu.memory_space<vmem>>, vector<16xi32>,
    %max3A_114 = arith.maxsi %max3A_109, %get3A_113 : vector<16xi32>
    %get3A_115 = arith.constant 4 : i32
    %get3A_116 = arith.index_cast %get3A_115 : i32 to index
    %get3A_117 = arith.constant 16 : index
    %get3A_118 = tpu.vector_load %arg7[%get3A_116, %get3A_117] {strides = array<i32>} : memref<16x128xi32, #tpu.memory_space<vmem>>, vector<16xi32>,
    %max3A_119 = arith.maxsi %max3A_114, %get3A_118 : vector<16xi32>
    %get3A_120 = arith.constant 5 : i32
    %get3A_121 = arith.index_cast %get3A_120 : i32 to index
    %get3A_122 = arith.constant 16 : index
    %get3A_123 = tpu.vector_load %arg7[%get3A_121, %get3A_122] {strides = array<i32>} : memref<16x128xi32, #tpu.memory_space<vmem>>, vector<16xi32>,
    %max3A_124 = arith.maxsi %max3A_119, %get3A_123 : vector<16xi32>
    %get3A_125 = arith.constant 6 : i32
    %get3A_126 = arith.index_cast %get3A_125 : i32 to index
    %get3A_127 = arith.constant 16 : index
    %get3A_128 = tpu.vector_load %arg7[%get3A_126, %get3A_127] {strides = array<i32>} : memref<16x128xi32, #tpu.memory_space<vmem>>, vector<16xi32>,
    %max3A_129 = arith.maxsi %max3A_124, %get3A_128 : vector<16xi32>
    %get3A_130 = arith.constant 7 : i32
    %get3A_131 = arith.index_cast %get3A_130 : i32 to index
    %get3A_132 = arith.constant 16 : index
    %get3A_133 = tpu.vector_load %arg7[%get3A_131, %get3A_132] {strides = array<i32>} : memref<16x128xi32, #tpu.memory_space<vmem>>, vector<16xi32>,
    %max3A_134 = arith.maxsi %max3A_129, %get3A_133 : vector<16xi32>
    %get3A_135 = arith.constant 8 : i32
    %get3A_136 = arith.index_cast %get3A_135 : i32 to index
    %get3A_137 = arith.constant 16 : index
    %get3A_138 = tpu.vector_load %arg7[%get3A_136, %get3A_137] {strides = array<i32>} : memref<16x128xi32, #tpu.memory_space<vmem>>, vector<16xi32>,
    %max3A_139 = arith.maxsi %max3A_134, %get3A_138 : vector<16xi32>
    %get3A_140 = arith.constant 9 : i32
    %get3A_141 = arith.index_cast %get3A_140 : i32 to index
    %get3A_142 = arith.constant 16 : index
    %get3A_143 = tpu.vector_load %arg7[%get3A_141, %get3A_142] {strides = array<i32>} : memref<16x128xi32, #tpu.memory_space<vmem>>, vector<16xi32>,
    %max3A_144 = arith.maxsi %max3A_139, %get3A_143 : vector<16xi32>
    %get3A_145 = arith.constant 10 : i32
    %get3A_146 = arith.index_cast %get3A_145 : i32 to index
    %get3A_147 = arith.constant 16 : index
    %get3A_148 = tpu.vector_load %arg7[%get3A_146, %get3A_147] {strides = array<i32>} : memref<16x128xi32, #tpu.memory_space<vmem>>, vector<16xi32>,
    %max3A_149 = arith.maxsi %max3A_144, %get3A_148 : vector<16xi32>
    %get3A_150 = arith.constant 11 : i32
    %get3A_151 = arith.index_cast %get3A_150 : i32 to index
    %get3A_152 = arith.constant 16 : index
    %get3A_153 = tpu.vector_load %arg7[%get3A_151, %get3A_152] {strides = array<i32>} : memref<16x128xi32, #tpu.memory_space<vmem>>, vector<16xi32>,
    %max3A_154 = arith.maxsi %max3A_149, %get3A_153 : vector<16xi32>
    %get3A_155 = arith.constant 12 : i32
    %get3A_156 = arith.index_cast %get3A_155 : i32 to index
    %get3A_157 = arith.constant 16 : index
    %get3A_158 = tpu.vector_load %arg7[%get3A_156, %get3A_157] {strides = array<i32>} : memref<16x128xi32, #tpu.memory_space<vmem>>, vector<16xi32>,
    %max3A_159 = arith.maxsi %max3A_154, %get3A_158 : vector<16xi32>
    %get3A_160 = arith.constant 13 : i32
    %get3A_161 = arith.index_cast %get3A_160 : i32 to index
    %get3A_162 = arith.constant 16 : index
    %get3A_163 = tpu.vector_load %arg7[%get3A_161, %get3A_162] {strides = array<i32>} : memref<16x128xi32, #tpu.memory_space<vmem>>, vector<16xi32>,
    %max3A_164 = arith.maxsi %max3A_159, %get3A_163 : vector<16xi32>
    %get3A_165 = arith.constant 14 : i32
    %get3A_166 = arith.index_cast %get3A_165 : i32 to index
    %get3A_167 = arith.constant 16 : index
    %get3A_168 = tpu.vector_load %arg7[%get3A_166, %get3A_167] {strides = array<i32>} : memref<16x128xi32, #tpu.memory_space<vmem>>, vector<16xi32>,
    %max3A_169 = arith.maxsi %max3A_164, %get3A_168 : vector<16xi32>
    %get3A_170 = arith.constant 15 : i32
    %get3A_171 = arith.index_cast %get3A_170 : i32 to index
    %get3A_172 = arith.constant 16 : index
    %get3A_173 = tpu.vector_load %arg7[%get3A_171, %get3A_172] {strides = array<i32>} : memref<16x128xi32, #tpu.memory_space<vmem>>, vector<16xi32>,
    %max3A_174 = arith.maxsi %max3A_169, %get3A_173 : vector<16xi32>
    %swap3A_175 = arith.constant 16 : index
    %swap3A_176 = tpu.vector_load %arg8[%swap3A_175] {strides = array<i32>} : memref<128xi32, #tpu.memory_space<vmem>>, vector<16xi32>,
    tpu.vector_store %arg8[%swap3A_175], %max3A_174 {strides = array<i32>} : memref<128xi32, #tpu.memory_space<vmem>>, vector<16xi32>,
    %get3A_177 = arith.constant 0 : i32
    %get3A_178 = arith.index_cast %get3A_177 : i32 to index
    %get3A_179 = arith.constant 32 : index
    %get3A_180 = tpu.vector_load %arg7[%get3A_178, %get3A_179] {strides = array<i32>} : memref<16x128xi32, #tpu.memory_space<vmem>>, vector<16xi32>,
    %get3A_181 = arith.constant 1 : i32
    %get3A_182 = arith.index_cast %get3A_181 : i32 to index
    %get3A_183 = arith.constant 32 : index
    %get3A_184 = tpu.vector_load %arg7[%get3A_182, %get3A_183] {strides = array<i32>} : memref<16x128xi32, #tpu.memory_space<vmem>>, vector<16xi32>,
    %max3A_185 = arith.maxsi %get3A_180, %get3A_184 : vector<16xi32>
    %get3A_186 = arith.constant 2 : i32
    %get3A_187 = arith.index_cast %get3A_186 : i32 to index
    %get3A_188 = arith.constant 32 : index
    %get3A_189 = tpu.vector_load %arg7[%get3A_187, %get3A_188] {strides = array<i32>} : memref<16x128xi32, #tpu.memory_space<vmem>>, vector<16xi32>,
    %max3A_190 = arith.maxsi %max3A_185, %get3A_189 : vector<16xi32>
    %get3A_191 = arith.constant 3 : i32
    %get3A_192 = arith.index_cast %get3A_191 : i32 to index
    %get3A_193 = arith.constant 32 : index
    %get3A_194 = tpu.vector_load %arg7[%get3A_192, %get3A_193] {strides = array<i32>} : memref<16x128xi32, #tpu.memory_space<vmem>>, vector<16xi32>,
    %max3A_195 = arith.maxsi %max3A_190, %get3A_194 : vector<16xi32>
    %get3A_196 = arith.constant 4 : i32
    %get3A_197 = arith.index_cast %get3A_196 : i32 to index
    %get3A_198 = arith.constant 32 : index
    %get3A_199 = tpu.vector_load %arg7[%get3A_197, %get3A_198] {strides = array<i32>} : memref<16x128xi32, #tpu.memory_space<vmem>>, vector<16xi32>,
    %max3A_200 = arith.maxsi %max3A_195, %get3A_199 : vector<16xi32>
    %get3A_201 = arith.constant 5 : i32
    %get3A_202 = arith.index_cast %get3A_201 : i32 to index
    %get3A_203 = arith.constant 32 : index
    %get3A_204 = tpu.vector_load %arg7[%get3A_202, %get3A_203] {strides = array<i32>} : memref<16x128xi32, #tpu.memory_space<vmem>>, vector<16xi32>,
    %max3A_205 = arith.maxsi %max3A_200, %get3A_204 : vector<16xi32>
    %get3A_206 = arith.constant 6 : i32
    %get3A_207 = arith.index_cast %get3A_206 : i32 to index
    %get3A_208 = arith.constant 32 : index
    %get3A_209 = tpu.vector_load %arg7[%get3A_207, %get3A_208] {strides = array<i32>} : memref<16x128xi32, #tpu.memory_space<vmem>>, vector<16xi32>,
    %max3A_210 = arith.maxsi %max3A_205, %get3A_209 : vector<16xi32>
    %get3A_211 = arith.constant 7 : i32
    %get3A_212 = arith.index_cast %get3A_211 : i32 to index
    %get3A_213 = arith.constant 32 : index
    %get3A_214 = tpu.vector_load %arg7[%get3A_212, %get3A_213] {strides = array<i32>} : memref<16x128xi32, #tpu.memory_space<vmem>>, vector<16xi32>,
    %max3A_215 = arith.maxsi %max3A_210, %get3A_214 : vector<16xi32>
    %get3A_216 = arith.constant 8 : i32
    %get3A_217 = arith.index_cast %get3A_216 : i32 to index
    %get3A_218 = arith.constant 32 : index
    %get3A_219 = tpu.vector_load %arg7[%get3A_217, %get3A_218] {strides = array<i32>} : memref<16x128xi32, #tpu.memory_space<vmem>>, vector<16xi32>,
    %max3A_220 = arith.maxsi %max3A_215, %get3A_219 : vector<16xi32>
    %get3A_221 = arith.constant 9 : i32
    %get3A_222 = arith.index_cast %get3A_221 : i32 to index
    %get3A_223 = arith.constant 32 : index
    %get3A_224 = tpu.vector_load %arg7[%get3A_222, %get3A_223] {strides = array<i32>} : memref<16x128xi32, #tpu.memory_space<vmem>>, vector<16xi32>,
    %max3A_225 = arith.maxsi %max3A_220, %get3A_224 : vector<16xi32>
    %get3A_226 = arith.constant 10 : i32
    %get3A_227 = arith.index_cast %get3A_226 : i32 to index
    %get3A_228 = arith.constant 32 : index
    %get3A_229 = tpu.vector_load %arg7[%get3A_227, %get3A_228] {strides = array<i32>} : memref<16x128xi32, #tpu.memory_space<vmem>>, vector<16xi32>,
    %max3A_230 = arith.maxsi %max3A_225, %get3A_229 : vector<16xi32>
    %get3A_231 = arith.constant 11 : i32
    %get3A_232 = arith.index_cast %get3A_231 : i32 to index
    %get3A_233 = arith.constant 32 : index
    %get3A_234 = tpu.vector_load %arg7[%get3A_232, %get3A_233] {strides = array<i32>} : memref<16x128xi32, #tpu.memory_space<vmem>>, vector<16xi32>,
    %max3A_235 = arith.maxsi %max3A_230, %get3A_234 : vector<16xi32>
    %get3A_236 = arith.constant 12 : i32
    %get3A_237 = arith.index_cast %get3A_236 : i32 to index
    %get3A_238 = arith.constant 32 : index
    %get3A_239 = tpu.vector_load %arg7[%get3A_237, %get3A_238] {strides = array<i32>} : memref<16x128xi32, #tpu.memory_space<vmem>>, vector<16xi32>,
    %max3A_240 = arith.maxsi %max3A_235, %get3A_239 : vector<16xi32>
    %get3A_241 = arith.constant 13 : i32
    %get3A_242 = arith.index_cast %get3A_241 : i32 to index
    %get3A_243 = arith.constant 32 : index
    %get3A_244 = tpu.vector_load %arg7[%get3A_242, %get3A_243] {strides = array<i32>} : memref<16x128xi32, #tpu.memory_space<vmem>>, vector<16xi32>,
    %max3A_245 = arith.maxsi %max3A_240, %get3A_244 : vector<16xi32>
    %get3A_246 = arith.constant 14 : i32
    %get3A_247 = arith.index_cast %get3A_246 : i32 to index
    %get3A_248 = arith.constant 32 : index
    %get3A_249 = tpu.vector_load %arg7[%get3A_247, %get3A_248] {strides = array<i32>} : memref<16x128xi32, #tpu.memory_space<vmem>>, vector<16xi32>,
    %max3A_250 = arith.maxsi %max3A_245, %get3A_249 : vector<16xi32>
    %get3A_251 = arith.constant 15 : i32
    %get3A_252 = arith.index_cast %get3A_251 : i32 to index
    %get3A_253 = arith.constant 32 : index
    %get3A_254 = tpu.vector_load %arg7[%get3A_252, %get3A_253] {strides = array<i32>} : memref<16x128xi32, #tpu.memory_space<vmem>>, vector<16xi32>,
    %max3A_255 = arith.maxsi %max3A_250, %get3A_254 : vector<16xi32>
    %swap3A_256 = arith.constant 32 : index
    %swap3A_257 = tpu.vector_load %arg8[%swap3A_256] {strides = array<i32>} : memref<128xi32, #tpu.memory_space<vmem>>, vector<16xi32>,
    tpu.vector_store %arg8[%swap3A_256], %max3A_255 {strides = array<i32>} : memref<128xi32, #tpu.memory_space<vmem>>, vector<16xi32>,
    %get3A_258 = arith.constant 0 : i32
    %get3A_259 = arith.index_cast %get3A_258 : i32 to index
    %get3A_260 = arith.constant 48 : index
    %get3A_261 = tpu.vector_load %arg7[%get3A_259, %get3A_260] {strides = array<i32>} : memref<16x128xi32, #tpu.memory_space<vmem>>, vector<16xi32>,
    %get3A_262 = arith.constant 1 : i32
    %get3A_263 = arith.index_cast %get3A_262 : i32 to index
    %get3A_264 = arith.constant 48 : index
    %get3A_265 = tpu.vector_load %arg7[%get3A_263, %get3A_264] {strides = array<i32>} : memref<16x128xi32, #tpu.memory_space<vmem>>, vector<16xi32>,
    %max3A_266 = arith.maxsi %get3A_261, %get3A_265 : vector<16xi32>
    %get3A_267 = arith.constant 2 : i32
    %get3A_268 = arith.index_cast %get3A_267 : i32 to index
    %get3A_269 = arith.constant 48 : index
    %get3A_270 = tpu.vector_load %arg7[%get3A_268, %get3A_269] {strides = array<i32>} : memref<16x128xi32, #tpu.memory_space<vmem>>, vector<16xi32>,
    %max3A_271 = arith.maxsi %max3A_266, %get3A_270 : vector<16xi32>
    %get3A_272 = arith.constant 3 : i32
    %get3A_273 = arith.index_cast %get3A_272 : i32 to index
    %get3A_274 = arith.constant 48 : index
    %get3A_275 = tpu.vector_load %arg7[%get3A_273, %get3A_274] {strides = array<i32>} : memref<16x128xi32, #tpu.memory_space<vmem>>, vector<16xi32>,
    %max3A_276 = arith.maxsi %max3A_271, %get3A_275 : vector<16xi32>
    %get3A_277 = arith.constant 4 : i32
    %get3A_278 = arith.index_cast %get3A_277 : i32 to index
    %get3A_279 = arith.constant 48 : index
    %get3A_280 = tpu.vector_load %arg7[%get3A_278, %get3A_279] {strides = array<i32>} : memref<16x128xi32, #tpu.memory_space<vmem>>, vector<16xi32>,
    %max3A_281 = arith.maxsi %max3A_276, %get3A_280 : vector<16xi32>
    %get3A_282 = arith.constant 5 : i32
    %get3A_283 = arith.index_cast %get3A_282 : i32 to index
    %get3A_284 = arith.constant 48 : index
    %get3A_285 = tpu.vector_load %arg7[%get3A_283, %get3A_284] {strides = array<i32>} : memref<16x128xi32, #tpu.memory_space<vmem>>, vector<16xi32>,
    %max3A_286 = arith.maxsi %max3A_281, %get3A_285 : vector<16xi32>
    %get3A_287 = arith.constant 6 : i32
    %get3A_288 = arith.index_cast %get3A_287 : i32 to index
    %get3A_289 = arith.constant 48 : index
    %get3A_290 = tpu.vector_load %arg7[%get3A_288, %get3A_289] {strides = array<i32>} : memref<16x128xi32, #tpu.memory_space<vmem>>, vector<16xi32>,
    %max3A_291 = arith.maxsi %max3A_286, %get3A_290 : vector<16xi32>
    %get3A_292 = arith.constant 7 : i32
    %get3A_293 = arith.index_cast %get3A_292 : i32 to index
    %get3A_294 = arith.constant 48 : index
    %get3A_295 = tpu.vector_load %arg7[%get3A_293, %get3A_294] {strides = array<i32>} : memref<16x128xi32, #tpu.memory_space<vmem>>, vector<16xi32>,
    %max3A_296 = arith.maxsi %max3A_291, %get3A_295 : vector<16xi32>
    %get3A_297 = arith.constant 8 : i32
    %get3A_298 = arith.index_cast %get3A_297 : i32 to index
    %get3A_299 = arith.constant 48 : index
    %get3A_300 = tpu.vector_load %arg7[%get3A_298, %get3A_299] {strides = array<i32>} : memref<16x128xi32, #tpu.memory_space<vmem>>, vector<16xi32>,
    %max3A_301 = arith.maxsi %max3A_296, %get3A_300 : vector<16xi32>
    %get3A_302 = arith.constant 9 : i32
    %get3A_303 = arith.index_cast %get3A_302 : i32 to index
    %get3A_304 = arith.constant 48 : index
    %get3A_305 = tpu.vector_load %arg7[%get3A_303, %get3A_304] {strides = array<i32>} : memref<16x128xi32, #tpu.memory_space<vmem>>, vector<16xi32>,
    %max3A_306 = arith.maxsi %max3A_301, %get3A_305 : vector<16xi32>
    %get3A_307 = arith.constant 10 : i32
    %get3A_308 = arith.index_cast %get3A_307 : i32 to index
    %get3A_309 = arith.constant 48 : index
    %get3A_310 = tpu.vector_load %arg7[%get3A_308, %get3A_309] {strides = array<i32>} : memref<16x128xi32, #tpu.memory_space<vmem>>, vector<16xi32>,
    %max3A_311 = arith.maxsi %max3A_306, %get3A_310 : vector<16xi32>
    %get3A_312 = arith.constant 11 : i32
    %get3A_313 = arith.index_cast %get3A_312 : i32 to index
    %get3A_314 = arith.constant 48 : index
    %get3A_315 = tpu.vector_load %arg7[%get3A_313, %get3A_314] {strides = array<i32>} : memref<16x128xi32, #tpu.memory_space<vmem>>, vector<16xi32>,
    %max3A_316 = arith.maxsi %max3A_311, %get3A_315 : vector<16xi32>
    %get3A_317 = arith.constant 12 : i32
    %get3A_318 = arith.index_cast %get3A_317 : i32 to index
    %get3A_319 = arith.constant 48 : index
    %get3A_320 = tpu.vector_load %arg7[%get3A_318, %get3A_319] {strides = array<i32>} : memref<16x128xi32, #tpu.memory_space<vmem>>, vector<16xi32>,
    %max3A_321 = arith.maxsi %max3A_316, %get3A_320 : vector<16xi32>
    %get3A_322 = arith.constant 13 : i32
    %get3A_323 = arith.index_cast %get3A_322 : i32 to index
    %get3A_324 = arith.constant 48 : index
    %get3A_325 = tpu.vector_load %arg7[%get3A_323, %get3A_324] {strides = array<i32>} : memref<16x128xi32, #tpu.memory_space<vmem>>, vector<16xi32>,
    %max3A_326 = arith.maxsi %max3A_321, %get3A_325 : vector<16xi32>
    %get3A_327 = arith.constant 14 : i32
    %get3A_328 = arith.index_cast %get3A_327 : i32 to index
    %get3A_329 = arith.constant 48 : index
    %get3A_330 = tpu.vector_load %arg7[%get3A_328, %get3A_329] {strides = array<i32>} : memref<16x128xi32, #tpu.memory_space<vmem>>, vector<16xi32>,
    %max3A_331 = arith.maxsi %max3A_326, %get3A_330 : vector<16xi32>
    %get3A_332 = arith.constant 15 : i32
    %get3A_333 = arith.index_cast %get3A_332 : i32 to index
    %get3A_334 = arith.constant 48 : index
    %get3A_335 = tpu.vector_load %arg7[%get3A_333, %get3A_334] {strides = array<i32>} : memref<16x128xi32, #tpu.memory_space<vmem>>, vector<16xi32>,
    %max3A_336 = arith.maxsi %max3A_331, %get3A_335 : vector<16xi32>
    %swap3A_337 = arith.constant 48 : index
    %swap3A_338 = tpu.vector_load %arg8[%swap3A_337] {strides = array<i32>} : memref<128xi32, #tpu.memory_space<vmem>>, vector<16xi32>,
    tpu.vector_store %arg8[%swap3A_337], %max3A_336 {strides = array<i32>} : memref<128xi32, #tpu.memory_space<vmem>>, vector<16xi32>,
    %get3A_339 = arith.constant 0 : i32
    %get3A_340 = arith.index_cast %get3A_339 : i32 to index
    %get3A_341 = arith.constant 64 : index
    %get3A_342 = tpu.vector_load %arg7[%get3A_340, %get3A_341] {strides = array<i32>} : memref<16x128xi32, #tpu.memory_space<vmem>>, vector<16xi32>,
    %get3A_343 = arith.constant 1 : i32
    %get3A_344 = arith.index_cast %get3A_343 : i32 to index
    %get3A_345 = arith.constant 64 : index
    %get3A_346 = tpu.vector_load %arg7[%get3A_344, %get3A_345] {strides = array<i32>} : memref<16x128xi32, #tpu.memory_space<vmem>>, vector<16xi32>,
    %max3A_347 = arith.maxsi %get3A_342, %get3A_346 : vector<16xi32>
    %get3A_348 = arith.constant 2 : i32
    %get3A_349 = arith.index_cast %get3A_348 : i32 to index
    %get3A_350 = arith.constant 64 : index
    %get3A_351 = tpu.vector_load %arg7[%get3A_349, %get3A_350] {strides = array<i32>} : memref<16x128xi32, #tpu.memory_space<vmem>>, vector<16xi32>,
    %max3A_352 = arith.maxsi %max3A_347, %get3A_351 : vector<16xi32>
    %get3A_353 = arith.constant 3 : i32
    %get3A_354 = arith.index_cast %get3A_353 : i32 to index
    %get3A_355 = arith.constant 64 : index
    %get3A_356 = tpu.vector_load %arg7[%get3A_354, %get3A_355] {strides = array<i32>} : memref<16x128xi32, #tpu.memory_space<vmem>>, vector<16xi32>,
    %max3A_357 = arith.maxsi %max3A_352, %get3A_356 : vector<16xi32>
    %get3A_358 = arith.constant 4 : i32
    %get3A_359 = arith.index_cast %get3A_358 : i32 to index
    %get3A_360 = arith.constant 64 : index
    %get3A_361 = tpu.vector_load %arg7[%get3A_359, %get3A_360] {strides = array<i32>} : memref<16x128xi32, #tpu.memory_space<vmem>>, vector<16xi32>,
    %max3A_362 = arith.maxsi %max3A_357, %get3A_361 : vector<16xi32>
    %get3A_363 = arith.constant 5 : i32
    %get3A_364 = arith.index_cast %get3A_363 : i32 to index
    %get3A_365 = arith.constant 64 : index
    %get3A_366 = tpu.vector_load %arg7[%get3A_364, %get3A_365] {strides = array<i32>} : memref<16x128xi32, #tpu.memory_space<vmem>>, vector<16xi32>,
    %max3A_367 = arith.maxsi %max3A_362, %get3A_366 : vector<16xi32>
    %get3A_368 = arith.constant 6 : i32
    %get3A_369 = arith.index_cast %get3A_368 : i32 to index
    %get3A_370 = arith.constant 64 : index
    %get3A_371 = tpu.vector_load %arg7[%get3A_369, %get3A_370] {strides = array<i32>} : memref<16x128xi32, #tpu.memory_space<vmem>>, vector<16xi32>,
    %max3A_372 = arith.maxsi %max3A_367, %get3A_371 : vector<16xi32>
    %get3A_373 = arith.constant 7 : i32
    %get3A_374 = arith.index_cast %get3A_373 : i32 to index
    %get3A_375 = arith.constant 64 : index
    %get3A_376 = tpu.vector_load %arg7[%get3A_374, %get3A_375] {strides = array<i32>} : memref<16x128xi32, #tpu.memory_space<vmem>>, vector<16xi32>,
    %max3A_377 = arith.maxsi %max3A_372, %get3A_376 : vector<16xi32>
    %get3A_378 = arith.constant 8 : i32
    %get3A_379 = arith.index_cast %get3A_378 : i32 to index
    %get3A_380 = arith.constant 64 : index
    %get3A_381 = tpu.vector_load %arg7[%get3A_379, %get3A_380] {strides = array<i32>} : memref<16x128xi32, #tpu.memory_space<vmem>>, vector<16xi32>,
    %max3A_382 = arith.maxsi %max3A_377, %get3A_381 : vector<16xi32>
    %get3A_383 = arith.constant 9 : i32
    %get3A_384 = arith.index_cast %get3A_383 : i32 to index
    %get3A_385 = arith.constant 64 : index
    %get3A_386 = tpu.vector_load %arg7[%get3A_384, %get3A_385] {strides = array<i32>} : memref<16x128xi32, #tpu.memory_space<vmem>>, vector<16xi32>,
    %max3A_387 = arith.maxsi %max3A_382, %get3A_386 : vector<16xi32>
    %get3A_388 = arith.constant 10 : i32
    %get3A_389 = arith.index_cast %get3A_388 : i32 to index
    %get3A_390 = arith.constant 64 : index
    %get3A_391 = tpu.vector_load %arg7[%get3A_389, %get3A_390] {strides = array<i32>} : memref<16x128xi32, #tpu.memory_space<vmem>>, vector<16xi32>,
    %max3A_392 = arith.maxsi %max3A_387, %get3A_391 : vector<16xi32>
    %get3A_393 = arith.constant 11 : i32
    %get3A_394 = arith.index_cast %get3A_393 : i32 to index
    %get3A_395 = arith.constant 64 : index
    %get3A_396 = tpu.vector_load %arg7[%get3A_394, %get3A_395] {strides = array<i32>} : memref<16x128xi32, #tpu.memory_space<vmem>>, vector<16xi32>,
    %max3A_397 = arith.maxsi %max3A_392, %get3A_396 : vector<16xi32>
    %get3A_398 = arith.constant 12 : i32
    %get3A_399 = arith.index_cast %get3A_398 : i32 to index
    %get3A_400 = arith.constant 64 : index
    %get3A_401 = tpu.vector_load %arg7[%get3A_399, %get3A_400] {strides = array<i32>} : memref<16x128xi32, #tpu.memory_space<vmem>>, vector<16xi32>,
    %max3A_402 = arith.maxsi %max3A_397, %get3A_401 : vector<16xi32>
    %get3A_403 = arith.constant 13 : i32
    %get3A_404 = arith.index_cast %get3A_403 : i32 to index
    %get3A_405 = arith.constant 64 : index
    %get3A_406 = tpu.vector_load %arg7[%get3A_404, %get3A_405] {strides = array<i32>} : memref<16x128xi32, #tpu.memory_space<vmem>>, vector<16xi32>,
    %max3A_407 = arith.maxsi %max3A_402, %get3A_406 : vector<16xi32>
    %get3A_408 = arith.constant 14 : i32
    %get3A_409 = arith.index_cast %get3A_408 : i32 to index
    %get3A_410 = arith.constant 64 : index
    %get3A_411 = tpu.vector_load %arg7[%get3A_409, %get3A_410] {strides = array<i32>} : memref<16x128xi32, #tpu.memory_space<vmem>>, vector<16xi32>,
    %max3A_412 = arith.maxsi %max3A_407, %get3A_411 : vector<16xi32>
    %get3A_413 = arith.constant 15 : i32
    %get3A_414 = arith.index_cast %get3A_413 : i32 to index
    %get3A_415 = arith.constant 64 : index
    %get3A_416 = tpu.vector_load %arg7[%get3A_414, %get3A_415] {strides = array<i32>} : memref<16x128xi32, #tpu.memory_space<vmem>>, vector<16xi32>,
    %max3A_417 = arith.maxsi %max3A_412, %get3A_416 : vector<16xi32>
    %swap3A_418 = arith.constant 64 : index
    %swap3A_419 = tpu.vector_load %arg8[%swap3A_418] {strides = array<i32>} : memref<128xi32, #tpu.memory_space<vmem>>, vector<16xi32>,
    tpu.vector_store %arg8[%swap3A_418], %max3A_417 {strides = array<i32>} : memref<128xi32, #tpu.memory_space<vmem>>, vector<16xi32>,
    %get3A_420 = arith.constant 0 : i32
    %get3A_421 = arith.index_cast %get3A_420 : i32 to index
    %get3A_422 = arith.constant 80 : index
    %get3A_423 = tpu.vector_load %arg7[%get3A_421, %get3A_422] {strides = array<i32>} : memref<16x128xi32, #tpu.memory_space<vmem>>, vector<16xi32>,
    %get3A_424 = arith.constant 1 : i32
    %get3A_425 = arith.index_cast %get3A_424 : i32 to index
    %get3A_426 = arith.constant 80 : index
    %get3A_427 = tpu.vector_load %arg7[%get3A_425, %get3A_426] {strides = array<i32>} : memref<16x128xi32, #tpu.memory_space<vmem>>, vector<16xi32>,
    %max3A_428 = arith.maxsi %get3A_423, %get3A_427 : vector<16xi32>
    %get3A_429 = arith.constant 2 : i32
    %get3A_430 = arith.index_cast %get3A_429 : i32 to index
    %get3A_431 = arith.constant 80 : index
    %get3A_432 = tpu.vector_load %arg7[%get3A_430, %get3A_431] {strides = array<i32>} : memref<16x128xi32, #tpu.memory_space<vmem>>, vector<16xi32>,
    %max3A_433 = arith.maxsi %max3A_428, %get3A_432 : vector<16xi32>
    %get3A_434 = arith.constant 3 : i32
    %get3A_435 = arith.index_cast %get3A_434 : i32 to index
    %get3A_436 = arith.constant 80 : index
    %get3A_437 = tpu.vector_load %arg7[%get3A_435, %get3A_436] {strides = array<i32>} : memref<16x128xi32, #tpu.memory_space<vmem>>, vector<16xi32>,
    %max3A_438 = arith.maxsi %max3A_433, %get3A_437 : vector<16xi32>
    %get3A_439 = arith.constant 4 : i32
    %get3A_440 = arith.index_cast %get3A_439 : i32 to index
    %get3A_441 = arith.constant 80 : index
    %get3A_442 = tpu.vector_load %arg7[%get3A_440, %get3A_441] {strides = array<i32>} : memref<16x128xi32, #tpu.memory_space<vmem>>, vector<16xi32>,
    %max3A_443 = arith.maxsi %max3A_438, %get3A_442 : vector<16xi32>
    %get3A_444 = arith.constant 5 : i32
    %get3A_445 = arith.index_cast %get3A_444 : i32 to index
    %get3A_446 = arith.constant 80 : index
    %get3A_447 = tpu.vector_load %arg7[%get3A_445, %get3A_446] {strides = array<i32>} : memref<16x128xi32, #tpu.memory_space<vmem>>, vector<16xi32>,
    %max3A_448 = arith.maxsi %max3A_443, %get3A_447 : vector<16xi32>
    %get3A_449 = arith.constant 6 : i32
    %get3A_450 = arith.index_cast %get3A_449 : i32 to index
    %get3A_451 = arith.constant 80 : index
    %get3A_452 = tpu.vector_load %arg7[%get3A_450, %get3A_451] {strides = array<i32>} : memref<16x128xi32, #tpu.memory_space<vmem>>, vector<16xi32>,
    %max3A_453 = arith.maxsi %max3A_448, %get3A_452 : vector<16xi32>
    %get3A_454 = arith.constant 7 : i32
    %get3A_455 = arith.index_cast %get3A_454 : i32 to index
    %get3A_456 = arith.constant 80 : index
    %get3A_457 = tpu.vector_load %arg7[%get3A_455, %get3A_456] {strides = array<i32>} : memref<16x128xi32, #tpu.memory_space<vmem>>, vector<16xi32>,
    %max3A_458 = arith.maxsi %max3A_453, %get3A_457 : vector<16xi32>
    %get3A_459 = arith.constant 8 : i32
    %get3A_460 = arith.index_cast %get3A_459 : i32 to index
    %get3A_461 = arith.constant 80 : index
    %get3A_462 = tpu.vector_load %arg7[%get3A_460, %get3A_461] {strides = array<i32>} : memref<16x128xi32, #tpu.memory_space<vmem>>, vector<16xi32>,
    %max3A_463 = arith.maxsi %max3A_458, %get3A_462 : vector<16xi32>
    %get3A_464 = arith.constant 9 : i32
    %get3A_465 = arith.index_cast %get3A_464 : i32 to index
    %get3A_466 = arith.constant 80 : index
    %get3A_467 = tpu.vector_load %arg7[%get3A_465, %get3A_466] {strides = array<i32>} : memref<16x128xi32, #tpu.memory_space<vmem>>, vector<16xi32>,
    %max3A_468 = arith.maxsi %max3A_463, %get3A_467 : vector<16xi32>
    %get3A_469 = arith.constant 10 : i32
    %get3A_470 = arith.index_cast %get3A_469 : i32 to index
    %get3A_471 = arith.constant 80 : index
    %get3A_472 = tpu.vector_load %arg7[%get3A_470, %get3A_471] {strides = array<i32>} : memref<16x128xi32, #tpu.memory_space<vmem>>, vector<16xi32>,
    %max3A_473 = arith.maxsi %max3A_468, %get3A_472 : vector<16xi32>
    %get3A_474 = arith.constant 11 : i32
    %get3A_475 = arith.index_cast %get3A_474 : i32 to index
    %get3A_476 = arith.constant 80 : index
    %get3A_477 = tpu.vector_load %arg7[%get3A_475, %get3A_476] {strides = array<i32>} : memref<16x128xi32, #tpu.memory_space<vmem>>, vector<16xi32>,
    %max3A_478 = arith.maxsi %max3A_473, %get3A_477 : vector<16xi32>
    %get3A_479 = arith.constant 12 : i32
    %get3A_480 = arith.index_cast %get3A_479 : i32 to index
    %get3A_481 = arith.constant 80 : index
    %get3A_482 = tpu.vector_load %arg7[%get3A_480, %get3A_481] {strides = array<i32>} : memref<16x128xi32, #tpu.memory_space<vmem>>, vector<16xi32>,
    %max3A_483 = arith.maxsi %max3A_478, %get3A_482 : vector<16xi32>
    %get3A_484 = arith.constant 13 : i32
    %get3A_485 = arith.index_cast %get3A_484 : i32 to index
    %get3A_486 = arith.constant 80 : index
    %get3A_487 = tpu.vector_load %arg7[%get3A_485, %get3A_486] {strides = array<i32>} : memref<16x128xi32, #tpu.memory_space<vmem>>, vector<16xi32>,
    %max3A_488 = arith.maxsi %max3A_483, %get3A_487 : vector<16xi32>
    %get3A_489 = arith.constant 14 : i32
    %get3A_490 = arith.index_cast %get3A_489 : i32 to index
    %get3A_491 = arith.constant 80 : index
    %get3A_492 = tpu.vector_load %arg7[%get3A_490, %get3A_491] {strides = array<i32>} : memref<16x128xi32, #tpu.memory_space<vmem>>, vector<16xi32>,
    %max3A_493 = arith.maxsi %max3A_488, %get3A_492 : vector<16xi32>
    %get3A_494 = arith.constant 15 : i32
    %get3A_495 = arith.index_cast %get3A_494 : i32 to index
    %get3A_496 = arith.constant 80 : index
    %get3A_497 = tpu.vector_load %arg7[%get3A_495, %get3A_496] {strides = array<i32>} : memref<16x128xi32, #tpu.memory_space<vmem>>, vector<16xi32>,
    %max3A_498 = arith.maxsi %max3A_493, %get3A_497 : vector<16xi32>
    %swap3A_499 = arith.constant 80 : index
    %swap3A_500 = tpu.vector_load %arg8[%swap3A_499] {strides = array<i32>} : memref<128xi32, #tpu.memory_space<vmem>>, vector<16xi32>,
    tpu.vector_store %arg8[%swap3A_499], %max3A_498 {strides = array<i32>} : memref<128xi32, #tpu.memory_space<vmem>>, vector<16xi32>,
    %get3A_501 = arith.constant 0 : i32
    %get3A_502 = arith.index_cast %get3A_501 : i32 to index
    %get3A_503 = arith.constant 96 : index
    %get3A_504 = tpu.vector_load %arg7[%get3A_502, %get3A_503] {strides = array<i32>} : memref<16x128xi32, #tpu.memory_space<vmem>>, vector<16xi32>,
    %get3A_505 = arith.constant 1 : i32
    %get3A_506 = arith.index_cast %get3A_505 : i32 to index
    %get3A_507 = arith.constant 96 : index
    %get3A_508 = tpu.vector_load %arg7[%get3A_506, %get3A_507] {strides = array<i32>} : memref<16x128xi32, #tpu.memory_space<vmem>>, vector<16xi32>,
    %max3A_509 = arith.maxsi %get3A_504, %get3A_508 : vector<16xi32>
    %get3A_510 = arith.constant 2 : i32
    %get3A_511 = arith.index_cast %get3A_510 : i32 to index
    %get3A_512 = arith.constant 96 : index
    %get3A_513 = tpu.vector_load %arg7[%get3A_511, %get3A_512] {strides = array<i32>} : memref<16x128xi32, #tpu.memory_space<vmem>>, vector<16xi32>,
    %max3A_514 = arith.maxsi %max3A_509, %get3A_513 : vector<16xi32>
    %get3A_515 = arith.constant 3 : i32
    %get3A_516 = arith.index_cast %get3A_515 : i32 to index
    %get3A_517 = arith.constant 96 : index
    %get3A_518 = tpu.vector_load %arg7[%get3A_516, %get3A_517] {strides = array<i32>} : memref<16x128xi32, #tpu.memory_space<vmem>>, vector<16xi32>,
    %max3A_519 = arith.maxsi %max3A_514, %get3A_518 : vector<16xi32>
    %get3A_520 = arith.constant 4 : i32
    %get3A_521 = arith.index_cast %get3A_520 : i32 to index
    %get3A_522 = arith.constant 96 : index
    %get3A_523 = tpu.vector_load %arg7[%get3A_521, %get3A_522] {strides = array<i32>} : memref<16x128xi32, #tpu.memory_space<vmem>>, vector<16xi32>,
    %max3A_524 = arith.maxsi %max3A_519, %get3A_523 : vector<16xi32>
    %get3A_525 = arith.constant 5 : i32
    %get3A_526 = arith.index_cast %get3A_525 : i32 to index
    %get3A_527 = arith.constant 96 : index
    %get3A_528 = tpu.vector_load %arg7[%get3A_526, %get3A_527] {strides = array<i32>} : memref<16x128xi32, #tpu.memory_space<vmem>>, vector<16xi32>,
    %max3A_529 = arith.maxsi %max3A_524, %get3A_528 : vector<16xi32>
    %get3A_530 = arith.constant 6 : i32
    %get3A_531 = arith.index_cast %get3A_530 : i32 to index
    %get3A_532 = arith.constant 96 : index
    %get3A_533 = tpu.vector_load %arg7[%get3A_531, %get3A_532] {strides = array<i32>} : memref<16x128xi32, #tpu.memory_space<vmem>>, vector<16xi32>,
    %max3A_534 = arith.maxsi %max3A_529, %get3A_533 : vector<16xi32>
    %get3A_535 = arith.constant 7 : i32
    %get3A_536 = arith.index_cast %get3A_535 : i32 to index
    %get3A_537 = arith.constant 96 : index
    %get3A_538 = tpu.vector_load %arg7[%get3A_536, %get3A_537] {strides = array<i32>} : memref<16x128xi32, #tpu.memory_space<vmem>>, vector<16xi32>,
    %max3A_539 = arith.maxsi %max3A_534, %get3A_538 : vector<16xi32>
    %get3A_540 = arith.constant 8 : i32
    %get3A_541 = arith.index_cast %get3A_540 : i32 to index
    %get3A_542 = arith.constant 96 : index
    %get3A_543 = tpu.vector_load %arg7[%get3A_541, %get3A_542] {strides = array<i32>} : memref<16x128xi32, #tpu.memory_space<vmem>>, vector<16xi32>,
    %max3A_544 = arith.maxsi %max3A_539, %get3A_543 : vector<16xi32>
    %get3A_545 = arith.constant 9 : i32
    %get3A_546 = arith.index_cast %get3A_545 : i32 to index
    %get3A_547 = arith.constant 96 : index
    %get3A_548 = tpu.vector_load %arg7[%get3A_546, %get3A_547] {strides = array<i32>} : memref<16x128xi32, #tpu.memory_space<vmem>>, vector<16xi32>,
    %max3A_549 = arith.maxsi %max3A_544, %get3A_548 : vector<16xi32>
    %get3A_550 = arith.constant 10 : i32
    %get3A_551 = arith.index_cast %get3A_550 : i32 to index
    %get3A_552 = arith.constant 96 : index
    %get3A_553 = tpu.vector_load %arg7[%get3A_551, %get3A_552] {strides = array<i32>} : memref<16x128xi32, #tpu.memory_space<vmem>>, vector<16xi32>,
    %max3A_554 = arith.maxsi %max3A_549, %get3A_553 : vector<16xi32>
    %get3A_555 = arith.constant 11 : i32
    %get3A_556 = arith.index_cast %get3A_555 : i32 to index
    %get3A_557 = arith.constant 96 : index
    %get3A_558 = tpu.vector_load %arg7[%get3A_556, %get3A_557] {strides = array<i32>} : memref<16x128xi32, #tpu.memory_space<vmem>>, vector<16xi32>,
    %max3A_559 = arith.maxsi %max3A_554, %get3A_558 : vector<16xi32>
    %get3A_560 = arith.constant 12 : i32
    %get3A_561 = arith.index_cast %get3A_560 : i32 to index
    %get3A_562 = arith.constant 96 : index
    %get3A_563 = tpu.vector_load %arg7[%get3A_561, %get3A_562] {strides = array<i32>} : memref<16x128xi32, #tpu.memory_space<vmem>>, vector<16xi32>,
    %max3A_564 = arith.maxsi %max3A_559, %get3A_563 : vector<16xi32>
    %get3A_565 = arith.constant 13 : i32
    %get3A_566 = arith.index_cast %get3A_565 : i32 to index
    %get3A_567 = arith.constant 96 : index
    %get3A_568 = tpu.vector_load %arg7[%get3A_566, %get3A_567] {strides = array<i32>} : memref<16x128xi32, #tpu.memory_space<vmem>>, vector<16xi32>,
    %max3A_569 = arith.maxsi %max3A_564, %get3A_568 : vector<16xi32>
    %get3A_570 = arith.constant 14 : i32
    %get3A_571 = arith.index_cast %get3A_570 : i32 to index
    %get3A_572 = arith.constant 96 : index
    %get3A_573 = tpu.vector_load %arg7[%get3A_571, %get3A_572] {strides = array<i32>} : memref<16x128xi32, #tpu.memory_space<vmem>>, vector<16xi32>,
    %max3A_574 = arith.maxsi %max3A_569, %get3A_573 : vector<16xi32>
    %get3A_575 = arith.constant 15 : i32
    %get3A_576 = arith.index_cast %get3A_575 : i32 to index
    %get3A_577 = arith.constant 96 : index
    %get3A_578 = tpu.vector_load %arg7[%get3A_576, %get3A_577] {strides = array<i32>} : memref<16x128xi32, #tpu.memory_space<vmem>>, vector<16xi32>,
    %max3A_579 = arith.maxsi %max3A_574, %get3A_578 : vector<16xi32>
    %swap3A_580 = arith.constant 96 : index
    %swap3A_581 = tpu.vector_load %arg8[%swap3A_580] {strides = array<i32>} : memref<128xi32, #tpu.memory_space<vmem>>, vector<16xi32>,
    tpu.vector_store %arg8[%swap3A_580], %max3A_579 {strides = array<i32>} : memref<128xi32, #tpu.memory_space<vmem>>, vector<16xi32>,
    %get3A_582 = arith.constant 0 : i32
    %get3A_583 = arith.index_cast %get3A_582 : i32 to index
    %get3A_584 = arith.constant 112 : index
    %get3A_585 = tpu.vector_load %arg7[%get3A_583, %get3A_584] {strides = array<i32>} : memref<16x128xi32, #tpu.memory_space<vmem>>, vector<16xi32>,
    %get3A_586 = arith.constant 1 : i32
    %get3A_587 = arith.index_cast %get3A_586 : i32 to index
    %get3A_588 = arith.constant 112 : index
    %get3A_589 = tpu.vector_load %arg7[%get3A_587, %get3A_588] {strides = array<i32>} : memref<16x128xi32, #tpu.memory_space<vmem>>, vector<16xi32>,
    %max3A_590 = arith.maxsi %get3A_585, %get3A_589 : vector<16xi32>
    %get3A_591 = arith.constant 2 : i32
    %get3A_592 = arith.index_cast %get3A_591 : i32 to index
    %get3A_593 = arith.constant 112 : index
    %get3A_594 = tpu.vector_load %arg7[%get3A_592, %get3A_593] {strides = array<i32>} : memref<16x128xi32, #tpu.memory_space<vmem>>, vector<16xi32>,
    %max3A_595 = arith.maxsi %max3A_590, %get3A_594 : vector<16xi32>
    %get3A_596 = arith.constant 3 : i32
    %get3A_597 = arith.index_cast %get3A_596 : i32 to index
    %get3A_598 = arith.constant 112 : index
    %get3A_599 = tpu.vector_load %arg7[%get3A_597, %get3A_598] {strides = array<i32>} : memref<16x128xi32, #tpu.memory_space<vmem>>, vector<16xi32>,
    %max3A_600 = arith.maxsi %max3A_595, %get3A_599 : vector<16xi32>
    %get3A_601 = arith.constant 4 : i32
    %get3A_602 = arith.index_cast %get3A_601 : i32 to index
    %get3A_603 = arith.constant 112 : index
    %get3A_604 = tpu.vector_load %arg7[%get3A_602, %get3A_603] {strides = array<i32>} : memref<16x128xi32, #tpu.memory_space<vmem>>, vector<16xi32>,
    %max3A_605 = arith.maxsi %max3A_600, %get3A_604 : vector<16xi32>
    %get3A_606 = arith.constant 5 : i32
    %get3A_607 = arith.index_cast %get3A_606 : i32 to index
    %get3A_608 = arith.constant 112 : index
    %get3A_609 = tpu.vector_load %arg7[%get3A_607, %get3A_608] {strides = array<i32>} : memref<16x128xi32, #tpu.memory_space<vmem>>, vector<16xi32>,
    %max3A_610 = arith.maxsi %max3A_605, %get3A_609 : vector<16xi32>
    %get3A_611 = arith.constant 6 : i32
    %get3A_612 = arith.index_cast %get3A_611 : i32 to index
    %get3A_613 = arith.constant 112 : index
    %get3A_614 = tpu.vector_load %arg7[%get3A_612, %get3A_613] {strides = array<i32>} : memref<16x128xi32, #tpu.memory_space<vmem>>, vector<16xi32>,
    %max3A_615 = arith.maxsi %max3A_610, %get3A_614 : vector<16xi32>
    %get3A_616 = arith.constant 7 : i32
    %get3A_617 = arith.index_cast %get3A_616 : i32 to index
    %get3A_618 = arith.constant 112 : index
    %get3A_619 = tpu.vector_load %arg7[%get3A_617, %get3A_618] {strides = array<i32>} : memref<16x128xi32, #tpu.memory_space<vmem>>, vector<16xi32>,
    %max3A_620 = arith.maxsi %max3A_615, %get3A_619 : vector<16xi32>
    %get3A_621 = arith.constant 8 : i32
    %get3A_622 = arith.index_cast %get3A_621 : i32 to index
    %get3A_623 = arith.constant 112 : index
    %get3A_624 = tpu.vector_load %arg7[%get3A_622, %get3A_623] {strides = array<i32>} : memref<16x128xi32, #tpu.memory_space<vmem>>, vector<16xi32>,
    %max3A_625 = arith.maxsi %max3A_620, %get3A_624 : vector<16xi32>
    %get3A_626 = arith.constant 9 : i32
    %get3A_627 = arith.index_cast %get3A_626 : i32 to index
    %get3A_628 = arith.constant 112 : index
    %get3A_629 = tpu.vector_load %arg7[%get3A_627, %get3A_628] {strides = array<i32>} : memref<16x128xi32, #tpu.memory_space<vmem>>, vector<16xi32>,
    %max3A_630 = arith.maxsi %max3A_625, %get3A_629 : vector<16xi32>
    %get3A_631 = arith.constant 10 : i32
    %get3A_632 = arith.index_cast %get3A_631 : i32 to index
    %get3A_633 = arith.constant 112 : index
    %get3A_634 = tpu.vector_load %arg7[%get3A_632, %get3A_633] {strides = array<i32>} : memref<16x128xi32, #tpu.memory_space<vmem>>, vector<16xi32>,
    %max3A_635 = arith.maxsi %max3A_630, %get3A_634 : vector<16xi32>
    %get3A_636 = arith.constant 11 : i32
    %get3A_637 = arith.index_cast %get3A_636 : i32 to index
    %get3A_638 = arith.constant 112 : index
    %get3A_639 = tpu.vector_load %arg7[%get3A_637, %get3A_638] {strides = array<i32>} : memref<16x128xi32, #tpu.memory_space<vmem>>, vector<16xi32>,
    %max3A_640 = arith.maxsi %max3A_635, %get3A_639 : vector<16xi32>
    %get3A_641 = arith.constant 12 : i32
    %get3A_642 = arith.index_cast %get3A_641 : i32 to index
    %get3A_643 = arith.constant 112 : index
    %get3A_644 = tpu.vector_load %arg7[%get3A_642, %get3A_643] {strides = array<i32>} : memref<16x128xi32, #tpu.memory_space<vmem>>, vector<16xi32>,
    %max3A_645 = arith.maxsi %max3A_640, %get3A_644 : vector<16xi32>
    %get3A_646 = arith.constant 13 : i32
    %get3A_647 = arith.index_cast %get3A_646 : i32 to index
    %get3A_648 = arith.constant 112 : index
    %get3A_649 = tpu.vector_load %arg7[%get3A_647, %get3A_648] {strides = array<i32>} : memref<16x128xi32, #tpu.memory_space<vmem>>, vector<16xi32>,
    %max3A_650 = arith.maxsi %max3A_645, %get3A_649 : vector<16xi32>
    %get3A_651 = arith.constant 14 : i32
    %get3A_652 = arith.index_cast %get3A_651 : i32 to index
    %get3A_653 = arith.constant 112 : index
    %get3A_654 = tpu.vector_load %arg7[%get3A_652, %get3A_653] {strides = array<i32>} : memref<16x128xi32, #tpu.memory_space<vmem>>, vector<16xi32>,
    %max3A_655 = arith.maxsi %max3A_650, %get3A_654 : vector<16xi32>
    %get3A_656 = arith.constant 15 : i32
    %get3A_657 = arith.index_cast %get3A_656 : i32 to index
    %get3A_658 = arith.constant 112 : index
    %get3A_659 = tpu.vector_load %arg7[%get3A_657, %get3A_658] {strides = array<i32>} : memref<16x128xi32, #tpu.memory_space<vmem>>, vector<16xi32>,
    %max3A_660 = arith.maxsi %max3A_655, %get3A_659 : vector<16xi32>
    %swap3A_661 = arith.constant 112 : index
    %swap3A_662 = tpu.vector_load %arg8[%swap3A_661] {strides = array<i32>} : memref<128xi32, #tpu.memory_space<vmem>>, vector<16xi32>,
    tpu.vector_store %arg8[%swap3A_661], %max3A_660 {strides = array<i32>} : memref<128xi32, #tpu.memory_space<vmem>>, vector<16xi32>,
    %dma_start3A = arith.constant 0 : i32
    %dma_start3A_663 = arith.constant 0 : i32
    %dma_start3A_664 = tpu.memref_slice %arg2[%dma_start3A, %dma_start3A_663] : memref<16384x128xf32, #tpu.memory_space<hbm>> -> memref<16384x128xf32, #tpu.memory_space<hbm>>
    tpu.enqueue_indirect_dma source(%dma_start3A_664 : memref<16384x128xf32, #tpu.memory_space<hbm>>) target(%arg9 : memref<128x128xf32, #tpu.memory_space<vmem>>) offsets(%arg8 : memref<128xi32, #tpu.memory_space<vmem>>) semaphore(%arg11 : memref<!tpu.dma_semaphore, #tpu.memory_space<semaphore_mem>>)
    %dma_wait3A = arith.constant 0 : i32
    %dma_wait3A_665 = arith.constant 0 : i32
    %dma_wait3A_666 = tpu.memref_slice %arg2[%dma_wait3A, %dma_wait3A_665] : memref<16384x128xf32, #tpu.memory_space<hbm>> -> memref<16384x128xf32, #tpu.memory_space<hbm>>
    tpu.wait_indirect_dma semaphore(%arg11 : memref<!tpu.dma_semaphore, #tpu.memory_space<semaphore_mem>>) src(%dma_wait3A_666 : memref<16384x128xf32, #tpu.memory_space<hbm>>) dst(%arg9 : memref<128x128xf32, #tpu.memory_space<vmem>>)
    "tpu.region"() ({
      %run_scoped3A = tpu.sem_alloc : memref<!tpu.dma_semaphore, #tpu.memory_space<semaphore_mem>>
      %dma_start3A_667 = arith.constant 0 : i32
      %dma_start3A_668 = tpu.memref_slice %arg4[%add3A, %dma_start3A_667] : memref<4096x128xf32, #tpu.memory_space<hbm>> -> memref<128x128xf32, #tpu.memory_space<hbm>>
      %dma_start3A_669 = arith.constant 0 : i32
      %dma_start3A_670 = tpu.memref_slice %arg4[%add3A, %dma_start3A_669] : memref<4096x128xf32, #tpu.memory_space<hbm>> -> memref<128x128xf32, #tpu.memory_space<hbm>>
      tpu.enqueue_dma source(%arg9 : memref<128x128xf32, #tpu.memory_space<vmem>>) target(%dma_start3A_670 : memref<128x128xf32, #tpu.memory_space<hbm>>) target_semaphore(%run_scoped3A : memref<!tpu.dma_semaphore, #tpu.memory_space<semaphore_mem>>)
      %dma_wait3A_671 = arith.constant 0 : i32
      %dma_wait3A_672 = tpu.memref_slice %arg4[%add3A, %dma_wait3A_671] : memref<4096x128xf32, #tpu.memory_space<hbm>> -> memref<128x128xf32, #tpu.memory_space<hbm>>
      %dma_wait3A_673 = arith.constant 0 : i32
      %dma_wait3A_674 = tpu.memref_slice %arg4[%add3A, %dma_wait3A_673] : memref<4096x128xf32, #tpu.memory_space<hbm>> -> memref<128x128xf32, #tpu.memory_space<hbm>>
      tpu.wait_dma2 semaphore(%run_scoped3A : memref<!tpu.dma_semaphore, #tpu.memory_space<semaphore_mem>>) src(%arg9 : memref<128x128xf32, #tpu.memory_space<vmem>>) dst(%dma_wait3A_674 : memref<128x128xf32, #tpu.memory_space<hbm>>)
      tpu.yield
    }) : () -> ()
    return
  }
}

</mosaic_0001>

<sc_bundles>
// kernel: kernel.3.cloned.1.call-start
scs
__scs_entry_jumppad:
0x0: {  	(pc) =	sbr.rel $0x88, $3  }
0x1: {  	(tag) =	ssettag $0x0;
	lr =	simm.s32 $0x1  }
0x2: {  	[smem:$0x3FA0] =	sst lr;
	_ =	strace $0xD0000000  }
0x3: {  	_ = 	snop  }
0x4: {  	_ = 	snop  }
0x5: {  	_ = 	snop  }
0x6: {  	_ = 	snop  }
0x7: {  	_ = 	snop  }
__scs_overlays_trampoline_lowered:
0x8: {  	[smem:$0x3FAF] =	sst s0  }
0x9: {  	[smem:$0x3FB0] =	sst s1  }
0xa: {  	[smem:$0x3FB1] =	sst s2  }
0xb: {  	[smem:$0x3FB2] =	sst s3  }
0xc: {  	[smem:$0x3FB3] =	sst s4  }
0xd: {  	[smem:$0x3FB4] =	sst s5  }
0xe: {  	[smem:$0x3FB5] =	sst s6  }
0xf: {  	[smem:$0x3FB6] =	sst s7  }
0x10: {  	[smem:$0x3FB7] =	sst s8  }
0x11: {  	[smem:$0x3FB8] =	sst s9;
	s0 =	simm.s32 @!p0 $0x0  }
0x12: {  	s1 =	sld [smem:$0x3F9E];
	s0 =	simm.s32 @p0 $0x1  }
0x13: {  	[smem:$0x3FB9] =	sst s0;
	s0 =	simm.s32 @!p1 $0x0  }
0x14: {  	s2 =	sld [smem:$0x3F9D];
	s0 =	simm.s32 @p1 $0x1  }
0x15: {  	[smem:$0x3FBA] =	sst s0;
	s0 =	simm.s32 @!p2 $0x0  }
0x16: {  	s3 =	sld [smem:$0x3FDB];
	s0 =	simm.s32 @p2 $0x1  }
0x17: {  	s4 =	simm.s32 $0x1BF5;
	[smem:$0x3FBC] =	sst s0  }
0x18: {  	s0 =	sld [smem:$0x3F9F];
	_ =	swait.ge [sflag:s4], $0x0  }
0x19: {  	s7 =	sld [smem:$0x3FA0]  }
0x1a: {  	s8 =	sadd.s32 $0xFFFFE003, lr  }
0x1b: {  	s9 =	sadd.s32 $0xFFFFFEF7, lr;
	s5 =	simm.s32 $0xFFFFFFFF;
	p2 =	slt.u32 s8, $0xFFFFF086  }
0x1c: {  	p1 =	slt.u32 s9, $0xF7A;
	s5 =	simm.s32 @!p2 $0x0  }
0x1d: {  	s5 =	simm.s32 @p1 $0x1;
	p0 =	seq.s32 s7, s2  }
0x1e: {  	s7 =	smul.u32 @!p0 $0xF7A, s2;
	p2 =	seq.s32 @!p0 s5, $0x0  }
0x1f: {  	s9 =	smul.u32 $0xF7A, s1;
	s8 =	simm.s32 @!p0 $0x1BF5;
	p2 =	por !p2, p0  }
0x20: {  	[sflag:s8] =	ssyncset.s32 @!p0 $0xFFFFF086;
	s6 =	sadd.s32 @!p0 s3, s7;
	s7 =	simm.s32 @!p0 $0x108  }
0x21: {  	s3 =	sadd.s32 s3, s9;
	s6 =	sadd.s32 @!p0 $0x88, s6;
	s7 =	simm.s32 @p2 $0x1082  }
0x22: {  	[simem:s7], [sflag:s8] =	dma.local @!p0 [hbm:s6], $0xF7A  }
0x23: {  	s9 =	sor.u32 $0xD0000000, s2;
	s6 =	simm.s32 $0x108;
	_ =	swait.ge @!p0 [sflag:s8], $0x0  }
0x24: {  	s3 =	sadd.s32 $0x88, s3;
	s6 =	simm.s32 @!p1 $0x1082;
	[sflag:s4] =	ssyncset.s32 $0xFFFFF086  }
0x25: {  	[simem:s6], [sflag:s4] =	dma.local [hbm:s3], $0xF7A  }
0x26: {  	[smem:$0x3FA0] =	sst s1;
	(tag) =	ssettag s2;
	_ =	strace s9  }
0x27: {  	s1 =	sld [smem:$0x3FB0]  }
0x28: {  	s2 =	sld [smem:$0x3FB1]  }
0x29: {  	s4 =	sld [smem:$0x3FB3]  }
0x2a: {  	p0 =	seq.s32 s5, $0x0;
	s5 =	sld [smem:$0x3FB4]  }
0x2b: {  	s6 =	sld [smem:$0x3FB5]  }
0x2c: {  	s7 =	sld [smem:$0x3FB6]  }
0x2d: {  	s3 =	simm.s32 $0x108;
	s8 =	sld [smem:$0x3FB7]  }
0x2e: {  	s3 =	simm.s32 @!p0 $0x1082;
	s9 =	sld [smem:$0x3FB8]  }
0x2f: {  	lr =	sadd.s32 s0, s3;
	s0 =	sld [smem:$0x3FAF]  }
0x30: {  	s3 =	sld [smem:$0x3FB2]  }
0x31: {  	[smem:$0x3FBB] =	sst s10  }
0x32: {  	s10 =	sld [smem:$0x3FB9];
	_ =	sdelay $0x3  }
0x33: {  	p0 =	seq.s32 s10, $0x1;
	s10 =	sld [smem:$0x3FBB];
	_ =	sdelay $0x3  }
0x34: {  	[smem:$0x3FBB] =	sst s10  }
0x35: {  	s10 =	sld [smem:$0x3FBA];
	_ =	sdelay $0x3  }
0x36: {  	p1 =	seq.s32 s10, $0x1;
	s10 =	sld [smem:$0x3FBB];
	_ =	sdelay $0x3  }
0x37: {  	[smem:$0x3FBB] =	sst s10  }
0x38: {  	s10 =	sld [smem:$0x3FBC]  }
0x39: {  	_ = 	snop;
	(pc) =	sbr.ind lr, $3  }
0x3a: {  	_ = 	snop  }
0x3b: {  	_ = 	snop  }
0x3c: {  	p2 =	seq.s32 s10, $0x1;
	s10 =	sld [smem:$0x3FBB]  }
0x3d: {  	_ =	shalt  }
0x3e: {  	_ =	shalt  }
0x3f: {  	_ =	shalt  }
0x40: {  	_ =	shalt  }
0x41: {  	_ =	shalt  }
0x42: {  	_ =	shalt  }
0x43: {  	_ =	shalt  }
0x44: {  	_ =	shalt  }
0x45: {  	_ =	shalt  }
0x46: {  	_ =	shalt  }
0x47: {  	_ =	shalt  }
0x48: {  	_ =	shalt  }
0x49: {  	_ =	shalt  }
0x4a: {  	_ =	shalt  }
0x4b: {  	_ =	shalt  }
0x4c: {  	_ =	shalt  }
0x4d: {  	_ =	shalt  }
0x4e: {  	_ =	shalt  }
0x4f: {  	_ =	shalt  }
0x50: {  	_ =	shalt  }
0x51: {  	_ =	shalt  }
0x52: {  	_ =	shalt  }
0x53: {  	_ =	shalt  }
0x54: {  	_ =	shalt  }
0x55: {  	_ =	shalt  }
0x56: {  	_ =	shalt  }
0x57: {  	_ =	shalt  }
0x58: {  	_ =	shalt  }
0x59: {  	_ =	shalt  }
0x5a: {  	_ =	shalt  }
0x5b: {  	_ =	shalt  }
0x5c: {  	_ =	shalt  }
0x5d: {  	_ =	shalt  }
0x5e: {  	_ =	shalt  }
0x5f: {  	_ =	shalt  }
0x60: {  	_ =	shalt  }
0x61: {  	_ =	shalt  }
0x62: {  	_ =	shalt  }
0x63: {  	_ =	shalt  }
0x64: {  	_ =	shalt  }
0x65: {  	_ =	shalt  }
0x66: {  	_ =	shalt  }
0x67: {  	_ =	shalt  }
0x68: {  	_ =	shalt  }
0x69: {  	_ =	shalt  }
0x6a: {  	_ =	shalt  }
0x6b: {  	_ =	shalt  }
0x6c: {  	_ =	shalt  }
0x6d: {  	_ =	shalt  }
0x6e: {  	_ =	shalt  }
0x6f: {  	_ =	shalt  }
0x70: {  	_ =	shalt  }
0x71: {  	_ =	shalt  }
0x72: {  	_ =	shalt  }
0x73: {  	_ =	shalt  }
0x74: {  	_ =	shalt  }
0x75: {  	_ =	shalt  }
0x76: {  	_ =	shalt  }
0x77: {  	_ =	shalt  }
0x78: {  	_ =	shalt  }
0x79: {  	_ =	shalt  }
0x7a: {  	_ =	shalt  }
0x7b: {  	_ =	shalt  }
0x7c: {  	_ =	shalt  }
0x7d: {  	_ =	shalt  }
0x7e: {  	_ =	shalt  }
0x7f: {  	_ =	shalt  }
0x80: {  	_ =	shalt  }
0x81: {  	_ =	shalt  }
0x82: {  	_ =	shalt  }
0x83: {  	_ =	shalt  }
0x84: {  	_ =	shalt  }
0x85: {  	_ =	shalt  }
0x86: {  	_ =	shalt  }
0x87: {  	_ =	shalt  }
.Lfunc_end0:
.L_simem_size_0:
called_computation_lowered:
.L_overlay_start_0:
0x88: {  	s2 =	sld [smem:$0x3FD9]  }
0x89: {  	s3 =	sld [smem:$0x3FFE];
	_ =	sdelay $0x1  }
0x8a: {  	s1 =	srdreg.scid  }
0x8b: {  	s0 =	sand.u32 $0x1, s1  }
0x8c: {  	s17 =	sshll.u32 s0, $0xA;
	s2 =	sadd.s32 s3, s2  }
0x8d: {  	s2 =	sadd.s32 s2, s17  }
0x8e: {  	[smem:$0x3FC7] =	sst s2  }
0x8f: {  	_ = 	snop  }
0x90: {  	s2 =	sld [smem:$0x3FC9]  }
0x91: {  	s18 =	sld [smem:$0x3FD0];
	(tm) =	ssettm $0x1  }
0x92: {  	s4 =	sld [smem:$0x3FFB];
	_ =	sdelay $0x3  }
0x93: {  	_ =	strace s4  }
0x94: {  	s4 =	sld [smem:$0x3FFC];
	_ =	sdelay $0x3  }
0x95: {  	_ =	strace s4  }
0x96: {  	s4 =	sld [smem:$0x3FFD];
	_ =	sdelay $0x3  }
0x97: {  	_ =	strace s4  }
0x98: {  	_ =	strace $0x8FFFFFFF  }
0x99: {  	s19 =	sld [smem:$0x3FDB];
	_ =	sdelay $0x1  }
0x9a: {  	s5 =	simm.s32 $_scs_section_size  }
0x9b: {  	s6 =	simm.s32 $_size__tile_overlayer_lowered;
	s7 =	simm.s32 $_tile_overlayer_lowered  }
0x9c: {  	s22 =	simm.s32 $0x1BFF;
	s21 =	sshll.u32 s7, $0x1;
	s4 =	sadd.s32 s5, s19  }
0x9d: {  	s8 =	simm.s32 $0x0;
	s20 =	sshll.u32 s6, $0x1;
	s6 =	sadd.s32 s21, s4  }
0x9e: {  	[timem:s8], [sflag:s22] =	dma.local [hbm:s6], s20  }
0x9f: {  	_ =	swait.ge [sflag:s22], s20  }
0xa0: {  	s5 =	ssub.s32 $0x0, s20;
	[sflag:s22] =	ssyncset.done $0x0  }
0xa1: {  	[sflag:s22] =	ssyncadd.s32 s5;
	_ =	sdelay $0x1  }
0xa2: {  	s23 =	simm.s32 $0x1B8B  }
0xa3: {  	_ =	swait.ge [sflag:s23], $0x1  }
0xa4: {  	[sflag:s23] =	ssyncset.done $0x0  }
0xa5: {  	s25 =	simm.s32 $0x1B8E;
	s24 =	sld [smem:$0x3FFE];
	[sflag:s23] =	ssyncadd.s32 $0xFFFFFFFF  }
0xa6: {  	s26 =	simm.s32 $execute0_lowered;
	[smem:$0x3FD2] =	sst s25  }
0xa7: {  	s6 =	sshll.u32 s26, $0x1;
	_ =	strace $0x80000046;
	[dreg:$0x1] =	wrdreg $0xFFFFFFFF  }
0xa8: {  	s28 =	simm.s32 $_size_execute0_lowered;
	s4 =	sadd.s32 s4, s6;
	[dreg:$0x0] =	wrdreg $0x0  }
0xa9: {  	s6 =	sshll.u32 s28, $0x1;
	[dreg:$0x2] =	wrdreg s4  }
0xaa: {  	[dreg:$0x3] =	wrdreg s6  }
0xab: {  	[dreg:$0x4] =	wrdreg $0xC0  }
0xac: {  	_ =	task [dreg:s8], $0x5FFFF  }
0xad: {  	[dreg:$0x1] =	wrdreg $0xFFFFFFFF  }
0xae: {  	[dreg:$0x0] =	wrdreg $0x60  }
0xaf: {  	[dreg:$0x2] =	wrdreg s2  }
0xb0: {  	[dreg:$0x3] =	wrdreg s24  }
0xb1: {  	[dreg:$0x4] =	wrdreg s18  }
0xb2: {  	[dreg:$0x5] =	wrdreg $0x53800  }
0xb3: {  	[dreg:$0x6] =	wrdreg $0x9  }
0xb4: {  	_ =	task.clear_ibuf [dreg:s8], $0x7FFFF;
	_ =	strace $0x90000046  }
0xb5: {  	s29 =	simm.s32 $0x9;
	_ =	strace $0x80000048  }
0xb6: {  	_ =	swait.ge [sflag:s29], $0x1  }
0xb7: {  	[sflag:s29] =	ssyncadd.s32 $0xFFFFFFFF  }
0xb8: {  	_ =	strace $0x90000048  }
0xb9: {  	_ =	sfence  }
0xba: {  	s30 =	sld [smem:$0x0];
	_ =	sdelay $0x2  }
0xbb: {  	s31 =	sshll.u32 s1, $0xD;
	s1 =	sshrl.u32 s1, $0x2  }
0xbc: {  	s3 =	sand.u32 $0x4000, s31;
	s1 =	sadd.s32 s1, s30  }
0xbd: {  	s0 =	sor.u32 s3, s0;
	s1 =	sshll.u32 s1, $0x11  }
0xbe: {  	s0 =	sor.u32 s1, s0  }
0xbf: {  	s0 =	sadd.s32 $0x8F2B, s0  }
0xc0: {  	[sflag:s0] =	ssyncadd.remote.s32 $0x1  }
0xc1: {  	_ =	sfence.sel $0xFFFF  }
0xc2: {  	[dreg:$0x0] =	wrdreg $0xFFFFFFFF;
	(pc) =	sbr.abs _section_cstart, $3  }
0xc3: {  	[dreg:$0x1] =	wrdreg $0xFFFFFFFF  }
0xc4: {  	_ =	task.clear_ibuf [dreg:s8], $0x2FFFF;
	_ =	strace $0x9FFFFFFF  }
0xc5: {  	(tm) =	ssettm $0x7FFFFFFF  }
tec
execute0_lowered:
.L_overlay_start_1:
0x0: {  	(tag) =	ssettag $0x1  }
0x1: {  	s1 =	rddreg [dreg:$0x0]  }
0x2: {  	s4 =	rddreg [dreg:$0x1]  }
0x3: {  	s6 =	rddreg [dreg:$0x2]  }
0x4: {  	s7 =	rddreg [dreg:$0x3]  }
0x5: {  	s0 =	rddreg [dreg:$0x4];
	s2 =	stileid.u32  }
0x6: {  	s5 =	srdreg.scid;
	s3 =	simm.s32 $0x0;
	s15 =	simm.s32 $0x4000  }
0x7: {  	s16 =	simm.s32 $0xB00;
	s17 =	simm.s32 $0x1300;
	s18 =	simm.s32 $0x1380  }
0x8: {  	s19 =	simm.s32 $0x1;
	s20 =	simm.s32 $0x0;
	s10 =	smul.u32 $0x300, s2  }
0x9: {  	s8 =	sand.u32 $0x1, s5;
	[smem:$0x7FF] =	sst s3;
	s31 =	sshll.u32 s2, $0xB  }
0xa: {  	s12 =	sshll.u32 s2, $0x7;
	s14 =	sshll.u32 s2, $0xA;
	s5 =	ssub.s32 $0x2, s8  }
0xb: {  	_ =	strace $0x80000047;
	s13 =	sand.u32 $0x4000, s31;
	s12 =	sand.u32 $0x380, s12  }
0xc: {  	v0 =	vimm.s32 $0xFFEDCBA9;
	v1 =	vimm.s32 $0x87654321;
	s9 =	sshrl.u32 s10, $0x3;
	s11 =	sshrl.u32 s5, $0x1;
	s13 =	sadd.s32 s13, s7  }
0xd: {  	v0 =	vunpack.c.l.s4.s8 v0;
	v1 =	vunpack.c.l.s4.s8 v1;
	s7 =	sadd.s32 s14, s7;
	s10 =	sadd.s32 $0x1000, s10;
	s14 =	simm.s32 $0x400  }
0xe: {  	s9 =	sadd.s32 s9, s4;
	s4 =	sshll.u32 s8, $0xB;
	s8 =	sshll.u32 s8, $0xF  }
0xf: {  	v3 =	vunpack.c.0.s8.s32 v0;
	v4 =	vunpack.c.0.s8.s32 v1;
	s11 =	ssub.s32 s5, s11;
	s5 =	sadd.s32 $0xE00, s9;
	s8 =	sadd.s32 s6, s8  }
0x10: {  	vm0 =	vcmask $0x3F3C;
	v1 =	vlaneseq.u32;
	s6 =	sadd.s32 s12, s13;
	s9 =	smax.u32 s11, $0x1;
	s11 =	simm.s32 $0x2  }
0x11: {  	v2 =	vor.u32 $0x80000000, v1;
	s12 =	simm.s32 $0x300;
	s13 =	simm.s32 $0x80;
	v0 =	vmov s4;
	v3 =	vcombine.low v4, v3;
	s8 =	sadd.s32 s31, s8  }
.LBB2_1:
0x12: {  	[tilespmem:s3], [sflag:$0x2] =	stream.linear.gather [hbm4b:s5+s3], $0x300, $0x38;
	[tilespmem:$0x5B80] =	vst v63  }
0x13: {  	_ =	swait.ge [sflag:s11], $0x300  }
0x14: {  	[sflag:s11] =	ssyncset.done $0x0  }
0x15: {  	s21 =	smov.u32 s4;
	s22 =	simm.s32 $0x0;
	[sflag:s11] =	ssyncadd.s32 $0xFFFFFD00  }
.LBB2_2:
0x16: {  	p0 =	sne.s32 s22, $0x1FC0  }
.Ltmp0:
0x17: {  	_ = 	snop;
	(pc) =	sbr.rel @p0 .LBB2_2-.Ltmp0, $3  }
0x18: {  	_ =	sdelay $0x1  }
0x19: {  	v4 =	vor.u32 s21, v1;
	s23 =	sshra.s32 s22, $0x2  }
0x1a: {  	s21 =	sadd.s32 $0x10, s21;
	s22 =	sadd.s32 $0x40, s22;
	[tilespmem:s23+$0x300] =	vst v4  }
0x1b: {  	s21 =	simm.s32 $0x0  }
0x1c: {  	v4 =	vld [tilespmem:s21+$0x0];
	_ =	sdelay $0x4  }
0x1d: {  	v4 =	vsub.s32 v4, v0  }
0x1e: {  	v4 =	vmin.u32 v4, $0x800  }
0x1f: {  	v4 =	vshll.u32 v4, $0x4  }
0x20: {  	v5 =	vor.u32 s10, v1;
	v4 =	vor.u32 v2, v4  }
0x21: {  	(xrf1) =	vsort.ascd.msk.u32 $0xffff, v4, v5;
	_ =	sdelay $0xd  }
0x22: {  	v4, v5, _ =	vpop (xrf1)  }
0x23: {  	v4 =	vxor.u32 $0x80000000, v4  }
0x24: {  	v6 =	vperm.xlane v4, v3;
	_ =	sdelay $0x1  }
0x25: {  	v7 =	vshra.s32 v4, $0x4;
	v6 =	vshra.s32 v6, $0x4  }
0x26: {  	vm1 =	vne.s32 v7, v6  }
0x27: {  	vm2 =	vlt.s32 v4, $0x8000;
	vm1 =	vmor vm1, vm0  }
0x28: {  	vm1 =	vmand vm2, vm1  }
0x29: {  	v4 =	vnsel vm2, $0x0, v7;
	_ =	sdelay $0x4  }
0x2a: {  	s23 =	simm.s32 $0x10;
	s22 =	simm.s32 $0x80;
	s21 =	smov.u32 s10;
	[tilespmem:v4+s12+$0x0] =	vst.idx.msk vm1, v5  }
.LBB2_4:
0x2b: {  	p0 =	sne.s32 s22, $0xBC0;
	v4 =	vld [tilespmem:s23+$0x0];
	_ =	sdelay $0x4  }
0x2c: {  	v4 =	vsub.s32 v4, v0  }
0x2d: {  	v4 =	vmin.u32 v4, $0x800  }
0x2e: {  	s21 =	sadd.s32 $0x10, s21;
	v4 =	vshll.u32 v4, $0x4  }
0x2f: {  	v5 =	vor.u32 s21, v1;
	v4 =	vor.u32 v2, v4  }
0x30: {  	(xrf1) =	vsort.ascd.msk.u32 $0xffff, v4, v5;
	_ =	sdelay $0xd  }
0x31: {  	v4, v5, _ =	vpop (xrf1)  }
0x32: {  	v4 =	vxor.u32 $0x80000000, v4  }
0x33: {  	v6 =	vperm.xlane v4, v3;
	_ =	sdelay $0x1  }
0x34: {  	v7 =	vshra.s32 v4, $0x4;
	v6 =	vshra.s32 v6, $0x4  }
0x35: {  	vm1 =	vne.s32 v7, v6  }
0x36: {  	vm2 =	vlt.s32 v4, $0x8000;
	vm1 =	vmor vm1, vm0  }
0x37: {  	vm1 =	vmand vm2, vm1  }
0x38: {  	v4 =	vnsel vm2, $0x0, v7  }
.Ltmp1:
0x39: {  	(pc) =	sbr.rel @p0 .LBB2_4-.Ltmp1, $2  }
0x3a: {  	_ =	sdelay $0x2  }
0x3b: {  	s23 =	sshra.s32 s22, $0x2;
	s22 =	sadd.s32 $0x40, s22;
	[tilespmem:v4+s12+$0x0] =	vst.idx.msk vm1, v5  }
0x3c: {  	v4 =	vld [tilespmem:s23+$0x0];
	_ =	sdelay $0x4  }
0x3d: {  	v4 =	vsub.s32 v4, v0  }
0x3e: {  	v4 =	vmin.u32 v4, $0x800  }
0x3f: {  	s21 =	sadd.s32 $0x10, s21;
	v4 =	vshll.u32 v4, $0x4  }
0x40: {  	v5 =	vor.u32 s21, v1;
	v4 =	vor.u32 v2, v4  }
0x41: {  	(xrf1) =	vsort.ascd.msk.u32 $0xffff, v4, v5;
	_ =	sdelay $0xd  }
0x42: {  	v4, v5, _ =	vpop (xrf1)  }
0x43: {  	v4 =	vxor.u32 $0x80000000, v4  }
0x44: {  	v6 =	vperm.xlane v4, v3;
	_ =	sdelay $0x1  }
0x45: {  	v7 =	vshra.s32 v4, $0x4;
	v6 =	vshra.s32 v6, $0x4  }
0x46: {  	vm1 =	vne.s32 v7, v6  }
0x47: {  	vm2 =	vlt.s32 v4, $0x8000;
	vm1 =	vmor vm1, vm0  }
0x48: {  	vm1 =	vmand vm2, vm1  }
0x49: {  	v4 =	vnsel vm2, $0x0, v7;
	_ =	sdelay $0x4  }
0x4a: {  	[tilespmem:v4+s12+$0x0] =	vst.idx.msk vm1, v5  }
0x4b: {  	[spmem:s6] =	stream.strided.scatter [tilespmem:s12], [sflag:$0x2], $0x800, s14, s13, $0x38;
	[tilespmem:$0x5B80] =	vst v63  }
0x4c: {  	_ =	swait.ge [sflag:s11], $0x800  }
0x4d: {  	[sflag:s11] =	ssyncset.done $0x0  }
0x4e: {  	[sflag:s11] =	ssyncadd.s32 $0xFFFFF800  }
0x4f: {  	[bflag:$0x0] =	sbarrier.arrive $0xFFFF  }
0x50: {  	[tilespmem:s16], [sflag:$0x2] =	stream.strided.gather [spmem:s7], $0x800, s15, s14, $0x38;
	[tilespmem:$0x5B80] =	vst v63  }
0x51: {  	_ =	swait.ge [sflag:s11], $0x800  }
0x52: {  	[sflag:s11] =	ssyncset.done $0x0  }
0x53: {  	[sflag:s11] =	ssyncadd.s32 $0xFFFFF800  }
0x54: {  	v4 =	vld [tilespmem:$0xB00]  }
0x55: {  	v5 =	vld [tilespmem:$0xB80]  }
0x56: {  	v58 =	vld [tilespmem:$0xC00]  }
0x57: {  	v14 =	vld [tilespmem:$0xC80]  }
0x58: {  	v16 =	vld [tilespmem:$0xD00]  }
0x59: {  	v17 =	vld [tilespmem:$0xD80]  }
0x5a: {  	v19 =	vld [tilespmem:$0xE00]  }
0x5b: {  	v20 =	vld [tilespmem:$0xE80]  }
0x5c: {  	v21 =	vld [tilespmem:$0xF00]  }
0x5d: {  	v22 =	vld [tilespmem:$0xF80]  }
0x5e: {  	v23 =	vld [tilespmem:$0x1000]  }
0x5f: {  	v24 =	vld [tilespmem:$0x1080]  }
0x60: {  	v25 =	vld [tilespmem:$0x1100]  }
0x61: {  	v26 =	vld [tilespmem:$0x1180]  }
0x62: {  	v27 =	vld [tilespmem:$0x1200]  }
0x63: {  	v28 =	vld [tilespmem:$0x1280]  }
0x64: {  	v59 =	vld [tilespmem:$0xB10]  }
0x65: {  	v8 =	vld [tilespmem:$0xB90]  }
0x66: {  	v29 =	vld [tilespmem:$0xC10]  }
0x67: {  	v30 =	vld [tilespmem:$0xC90]  }
0x68: {  	v31 =	vld [tilespmem:$0xD10]  }
0x69: {  	v32 =	vld [tilespmem:$0xD90]  }
0x6a: {  	v33 =	vld [tilespmem:$0xE10]  }
0x6b: {  	v34 =	vld [tilespmem:$0xE90]  }
0x6c: {  	v35 =	vld [tilespmem:$0xF10]  }
0x6d: {  	v36 =	vld [tilespmem:$0xF90]  }
0x6e: {  	v37 =	vld [tilespmem:$0x1010]  }
0x6f: {  	v38 =	vld [tilespmem:$0x1090]  }
0x70: {  	v39 =	vld [tilespmem:$0x1110]  }
0x71: {  	v40 =	vld [tilespmem:$0x1190]  }
0x72: {  	v41 =	vld [tilespmem:$0x1210]  }
0x73: {  	v42 =	vld [tilespmem:$0x1290]  }
0x74: {  	v43 =	vld [tilespmem:$0xB20]  }
0x75: {  	v44 =	vld [tilespmem:$0xBA0]  }
0x76: {  	v45 =	vld [tilespmem:$0xC20]  }
0x77: {  	v46 =	vld [tilespmem:$0xCA0]  }
0x78: {  	v47 =	vld [tilespmem:$0xD20]  }
0x79: {  	v48 =	vld [tilespmem:$0xDA0]  }
0x7a: {  	v18 =	vld [tilespmem:$0xE20]  }
0x7b: {  	v15 =	vld [tilespmem:$0xEA0]  }
0x7c: {  	v13 =	vld [tilespmem:$0xF20]  }
0x7d: {  	v12 =	vld [tilespmem:$0xFA0]  }
0x7e: {  	v11 =	vld [tilespmem:$0x1020]  }
0x7f: {  	v10 =	vld [tilespmem:$0x10A0];
	vm1 =	vgt.s32 v4, v5  }
0x80: {  	v9 =	vld [tilespmem:$0x1120];
	v4 =	vsel vm1, v4, v5;
	vm1 =	vgt.s32 v59, v8  }
0x81: {  	v7 =	vld [tilespmem:$0x1220];
	vm2 =	vgt.s32 v4, v58;
	v5 =	vsel vm1, v59, v8  }
0x82: {  	v6 =	vld [tilespmem:$0x12A0];
	v4 =	vsel vm2, v4, v58;
	vm1 =	vgt.s32 v5, v29  }
0x83: {  	v60 =	vld [tilespmem:$0xBB0];
	vm2 =	vgt.s32 v4, v14;
	v5 =	vsel vm1, v5, v29  }
0x84: {  	v49 =	vld [tilespmem:$0xC30];
	v4 =	vsel vm2, v4, v14;
	vm1 =	vgt.s32 v5, v30  }
0x85: {  	v50 =	vld [tilespmem:$0xD30];
	vm2 =	vgt.s32 v4, v16;
	v5 =	vsel vm1, v5, v30  }
0x86: {  	v51 =	vld [tilespmem:$0xE30];
	v4 =	vsel vm2, v4, v16;
	vm1 =	vgt.s32 v5, v31  }
0x87: {  	v61 =	vld [tilespmem:$0xB40];
	vm2 =	vgt.s32 v4, v17;
	v5 =	vsel vm1, v5, v31  }
0x88: {  	v62 =	vld [tilespmem:$0xBC0];
	v4 =	vsel vm2, v4, v17;
	vm1 =	vgt.s32 v5, v32  }
0x89: {  	v63 =	vld [tilespmem:$0xC40];
	vm2 =	vgt.s32 v4, v19;
	v5 =	vsel vm1, v5, v32  }
0x8a: {  	v52 =	vld [tilespmem:$0xD40];
	v4 =	vsel vm2, v4, v19;
	vm1 =	vgt.s32 v5, v33  }
0x8b: {  	v53 =	vld [tilespmem:$0xDC0];
	vm2 =	vgt.s32 v4, v20;
	v5 =	vsel vm1, v5, v33  }
0x8c: {  	v54 =	vld [tilespmem:$0xE40];
	v4 =	vsel vm2, v4, v20;
	vm1 =	vgt.s32 v5, v34  }
0x8d: {  	v56 =	vld [tilespmem:$0xEC0];
	vm2 =	vgt.s32 v4, v21;
	v5 =	vsel vm1, v5, v34  }
0x8e: {  	v57 =	vld [tilespmem:$0xF40];
	v4 =	vsel vm2, v4, v21;
	vm1 =	vgt.s32 v5, v35  }
0x8f: {  	v8 =	vld [tilespmem:$0x11A0];
	vm2 =	vgt.s32 v4, v22;
	v5 =	vsel vm1, v5, v35  }
0x90: {  	v59 =	vld [tilespmem:$0xFC0];
	v4 =	vsel vm2, v4, v22;
	vm1 =	vgt.s32 v5, v36  }
0x91: {  	v29 =	vld [tilespmem:$0xB30];
	vm2 =	vgt.s32 v4, v23;
	v5 =	vsel vm1, v5, v36  }
0x92: {  	v14 =	vld [tilespmem:$0x12B0];
	v4 =	vsel vm2, v4, v23;
	vm1 =	vgt.s32 v5, v37  }
0x93: {  	v30 =	vld [tilespmem:$0xC70];
	vm2 =	vgt.s32 v4, v24;
	v5 =	vsel vm1, v5, v37  }
0x94: {  	v16 =	vld [tilespmem:$0x1230];
	v4 =	vsel vm2, v4, v24;
	vm1 =	vgt.s32 v5, v38  }
0x95: {  	v31 =	vld [tilespmem:$0xCB0];
	vm2 =	vgt.s32 v4, v25;
	v5 =	vsel vm1, v5, v38  }
0x96: {  	v17 =	vld [tilespmem:$0x11B0];
	v4 =	vsel vm2, v4, v25;
	vm1 =	vgt.s32 v5, v39  }
0x97: {  	v32 =	vld [tilespmem:$0xDB0];
	vm2 =	vgt.s32 v4, v26;
	v5 =	vsel vm1, v5, v39  }
0x98: {  	v19 =	vld [tilespmem:$0x1130];
	v4 =	vsel vm2, v4, v26;
	vm1 =	vgt.s32 v5, v40  }
0x99: {  	v33 =	vld [tilespmem:$0xEB0];
	vm2 =	vgt.s32 v4, v27;
	v5 =	vsel vm1, v5, v40  }
0x9a: {  	v20 =	vld [tilespmem:$0xF30];
	v4 =	vsel vm2, v4, v27;
	vm1 =	vgt.s32 v5, v41  }
0x9b: {  	v34 =	vld [tilespmem:$0xFB0];
	vm2 =	vgt.s32 v4, v28;
	v55 =	vsel vm1, v5, v41  }
0x9c: {  	v21 =	vld [tilespmem:$0x1030];
	v5 =	vsel vm2, v4, v28;
	vm1 =	vgt.s32 v55, v42;
	vm2 =	vgt.s32 v43, v44  }
0x9d: {  	v25 =	vld [tilespmem:$0xCC0];
	v4 =	vsel vm1, v55, v42;
	v58 =	vsel vm2, v43, v44;
	vm1 =	vgt.s32 v29, v60  }
0x9e: {  	v35 =	vld [tilespmem:$0x10B0];
	vm2 =	vgt.s32 v58, v45;
	v29 =	vsel vm1, v29, v60;
	vm1 =	vgt.s32 v61, v62  }
0x9f: {  	v38 =	vld [tilespmem:$0xD60];
	v37 =	vsel vm2, v58, v45;
	vm2 =	vgt.s32 v29, v49;
	v22 =	vsel vm1, v61, v62  }
0xa0: {  	v39 =	vld [tilespmem:$0xD70];
	vm1 =	vgt.s32 v37, v46;
	v29 =	vsel vm2, v29, v49;
	vm2 =	vgt.s32 v22, v63  }
0xa1: {  	v40 =	vld [tilespmem:$0xDE0];
	v37 =	vsel vm1, v37, v46;
	vm1 =	vgt.s32 v29, v31;
	v22 =	vsel vm2, v22, v63  }
0xa2: {  	v41 =	vld [tilespmem:$0xB50];
	vm2 =	vgt.s32 v37, v47;
	v29 =	vsel vm1, v29, v31;
	vm1 =	vgt.s32 v22, v25  }
0xa3: {  	v43 =	vld [tilespmem:$0xBD0];
	v37 =	vsel vm2, v37, v47;
	vm2 =	vgt.s32 v29, v50;
	v22 =	vsel vm1, v22, v25  }
0xa4: {  	v44 =	vld [tilespmem:$0xC50];
	vm1 =	vgt.s32 v37, v48;
	v29 =	vsel vm2, v29, v50;
	vm2 =	vgt.s32 v22, v52  }
0xa5: {  	v55 =	vld [tilespmem:$0xFD0];
	v37 =	vsel vm1, v37, v48;
	vm1 =	vgt.s32 v29, v32;
	v22 =	vsel vm2, v22, v52  }
0xa6: {  	v42 =	vld [tilespmem:$0xE60];
	vm2 =	vgt.s32 v37, v18;
	v29 =	vsel vm1, v29, v32;
	vm1 =	vgt.s32 v22, v53  }
0xa7: {  	v60 =	vld [tilespmem:$0x1040];
	v18 =	vsel vm2, v37, v18;
	vm2 =	vgt.s32 v29, v51;
	v22 =	vsel vm1, v22, v53  }
0xa8: {  	v61 =	vld [tilespmem:$0x10C0];
	vm1 =	vgt.s32 v18, v15;
	v29 =	vsel vm2, v29, v51;
	vm2 =	vgt.s32 v22, v54  }
0xa9: {  	v62 =	vld [tilespmem:$0x1140];
	v15 =	vsel vm1, v18, v15;
	vm1 =	vgt.s32 v29, v33;
	v47 =	vsel vm2, v22, v54  }
0xaa: {  	v45 =	vld [tilespmem:$0xCD0];
	vm2 =	vgt.s32 v15, v13;
	v49 =	vsel vm1, v29, v33;
	vm1 =	vgt.s32 v47, v56  }
0xab: {  	v58 =	vld [tilespmem:$0xB60];
	v13 =	vsel vm2, v15, v13;
	vm2 =	vgt.s32 v49, v20;
	v51 =	vsel vm1, v47, v56  }
0xac: {  	v63 =	vld [tilespmem:$0x11C0];
	vm1 =	vgt.s32 v13, v12;
	v20 =	vsel vm2, v49, v20;
	vm2 =	vgt.s32 v51, v57  }
0xad: {  	v46 =	vld [tilespmem:$0xD50];
	v12 =	vsel vm1, v13, v12;
	vm1 =	vgt.s32 v20, v34;
	v54 =	vsel vm2, v51, v57  }
0xae: {  	v31 =	vld [tilespmem:$0x1240];
	vm2 =	vgt.s32 v12, v11;
	v20 =	vsel vm1, v20, v34;
	vm1 =	vgt.s32 v54, v59  }
0xaf: {  	v25 =	vld [tilespmem:$0x12C0];
	v11 =	vsel vm2, v12, v11;
	vm2 =	vgt.s32 v20, v21;
	v13 =	vsel vm1, v54, v59  }
0xb0: {  	v50 =	vld [tilespmem:$0xE50];
	vm1 =	vgt.s32 v11, v10;
	v20 =	vsel vm2, v20, v21;
	vm2 =	vgt.s32 v13, v60  }
0xb1: {  	v48 =	vld [tilespmem:$0xDD0];
	v57 =	vsel vm1, v11, v10;
	vm1 =	vgt.s32 v20, v35;
	v13 =	vsel vm2, v13, v60  }
0xb2: {  	v52 =	vld [tilespmem:$0xED0];
	vm2 =	vgt.s32 v57, v9;
	v20 =	vsel vm1, v20, v35;
	vm1 =	vgt.s32 v13, v61  }
0xb3: {  	v53 =	vld [tilespmem:$0xF50];
	v21 =	vsel vm2, v57, v9;
	vm2 =	vgt.s32 v20, v19;
	v13 =	vsel vm1, v13, v61  }
0xb4: {  	v33 =	vld [tilespmem:$0x10D0];
	vm1 =	vgt.s32 v21, v8;
	v19 =	vsel vm2, v20, v19;
	vm2 =	vgt.s32 v13, v62  }
0xb5: {  	v59 =	vld [tilespmem:$0xBE0];
	v8 =	vsel vm1, v21, v8;
	vm1 =	vgt.s32 v19, v17;
	v13 =	vsel vm2, v13, v62  }
0xb6: {  	v60 =	vld [tilespmem:$0xB70];
	vm2 =	vgt.s32 v8, v7;
	v17 =	vsel vm1, v19, v17;
	vm1 =	vgt.s32 v13, v63  }
0xb7: {  	v62 =	vld [tilespmem:$0xBF0];
	v7 =	vsel vm2, v8, v7;
	vm2 =	vgt.s32 v17, v16;
	v61 =	vsel vm1, v13, v63  }
0xb8: {  	v63 =	vld [tilespmem:$0xC60];
	vm1 =	vgt.s32 v7, v6;
	v16 =	vsel vm2, v17, v16;
	vm2 =	vgt.s32 v61, v31  }
0xb9: {  	v56 =	vld [tilespmem:$0x1050];
	v6 =	vsel vm1, v7, v6;
	vm1 =	vgt.s32 v16, v14;
	v24 =	vsel vm2, v61, v31  }
0xba: {  	vm2 =	vgt.s32 v41, v43;
	v31 =	vld [tilespmem:$0xCE0];
	v14 =	vsel vm1, v16, v14;
	vm1 =	vgt.s32 v24, v25  }
0xbb: {  	v35 =	vld [tilespmem:$0xCF0];
	v34 =	vsel vm2, v41, v43;
	v7 =	vsel vm1, v24, v25;
	vm1 =	vgt.s32 v58, v59  }
0xbc: {  	v47 =	vld [tilespmem:$0xF70];
	vm2 =	vgt.s32 v34, v44;
	v20 =	vsel vm1, v58, v59;
	vm1 =	vgt.s32 v60, v62  }
0xbd: {  	v49 =	vld [tilespmem:$0xFF0];
	v23 =	vsel vm2, v34, v44;
	vm2 =	vgt.s32 v20, v63;
	v13 =	vsel vm1, v60, v62  }
0xbe: {  	v51 =	vld [tilespmem:$0x1070];
	vm1 =	vgt.s32 v23, v45;
	v17 =	vsel vm2, v20, v63;
	vm2 =	vgt.s32 v13, v30  }
0xbf: {  	v41 =	vld [tilespmem:$0xDF0];
	v23 =	vsel vm1, v23, v45;
	vm1 =	vgt.s32 v17, v31;
	v8 =	vsel vm2, v13, v30  }
0xc0: {  	v12 =	vld [tilespmem:$0x1150];
	vm2 =	vgt.s32 v23, v46;
	v16 =	vsel vm1, v17, v31;
	vm1 =	vgt.s32 v8, v35  }
0xc1: {  	v43 =	vld [tilespmem:$0xE70];
	v23 =	vsel vm2, v23, v46;
	vm2 =	vgt.s32 v16, v38;
	v8 =	vsel vm1, v8, v35  }
0xc2: {  	v44 =	vld [tilespmem:$0xEE0];
	vm1 =	vgt.s32 v23, v48;
	v16 =	vsel vm2, v16, v38;
	vm2 =	vgt.s32 v8, v39  }
0xc3: {  	v45 =	vld [tilespmem:$0xEF0];
	v22 =	vsel vm1, v23, v48;
	vm1 =	vgt.s32 v16, v40;
	v8 =	vsel vm2, v8, v39  }
0xc4: {  	v46 =	vld [tilespmem:$0xF60];
	vm2 =	vgt.s32 v22, v50;
	v16 =	vsel vm1, v16, v40;
	vm1 =	vgt.s32 v8, v41  }
0xc5: {  	v54 =	vld [tilespmem:$0x1160];
	v22 =	vsel vm2, v22, v50;
	vm2 =	vgt.s32 v16, v42;
	v8 =	vsel vm1, v8, v41  }
0xc6: {  	v48 =	vld [tilespmem:$0xFE0];
	vm1 =	vgt.s32 v22, v52;
	v16 =	vsel vm2, v16, v42;
	vm2 =	vgt.s32 v8, v43  }
0xc7: {  	v11 =	vld [tilespmem:$0x11D0];
	v18 =	vsel vm1, v22, v52;
	vm1 =	vgt.s32 v16, v44;
	v8 =	vsel vm2, v8, v43  }
0xc8: {  	v50 =	vld [tilespmem:$0x1060];
	vm2 =	vgt.s32 v18, v53;
	v16 =	vsel vm1, v16, v44;
	vm1 =	vgt.s32 v8, v45  }
0xc9: {  	v10 =	vld [tilespmem:$0x1250];
	v18 =	vsel vm2, v18, v53;
	vm2 =	vgt.s32 v16, v46;
	v8 =	vsel vm1, v8, v45  }
0xca: {  	v52 =	vld [tilespmem:$0x10E0];
	vm1 =	vgt.s32 v18, v55;
	v16 =	vsel vm2, v16, v46;
	vm2 =	vgt.s32 v8, v47  }
0xcb: {  	v53 =	vld [tilespmem:$0x10F0];
	v15 =	vsel vm1, v18, v55;
	vm1 =	vgt.s32 v16, v48;
	v8 =	vsel vm2, v8, v47  }
0xcc: {  	v9 =	vld [tilespmem:$0x12D0];
	vm2 =	vgt.s32 v15, v56;
	v16 =	vsel vm1, v16, v48;
	vm1 =	vgt.s32 v8, v49  }
0xcd: {  	v55 =	vld [tilespmem:$0x1170];
	v15 =	vsel vm2, v15, v56;
	vm2 =	vgt.s32 v16, v50;
	v8 =	vsel vm1, v8, v49  }
0xce: {  	v56 =	vld [tilespmem:$0x11E0];
	vm1 =	vgt.s32 v15, v33;
	v16 =	vsel vm2, v16, v50;
	vm2 =	vgt.s32 v8, v51  }
0xcf: {  	v57 =	vld [tilespmem:$0x11F0];
	v15 =	vsel vm1, v15, v33;
	vm1 =	vgt.s32 v16, v52;
	v8 =	vsel vm2, v8, v51  }
0xd0: {  	v58 =	vld [tilespmem:$0x1260];
	vm2 =	vgt.s32 v15, v12;
	v16 =	vsel vm1, v16, v52;
	vm1 =	vgt.s32 v8, v53  }
0xd1: {  	v59 =	vld [tilespmem:$0x1270];
	v12 =	vsel vm2, v15, v12;
	vm2 =	vgt.s32 v16, v54;
	v8 =	vsel vm1, v8, v53  }
0xd2: {  	v61 =	vld [tilespmem:$0x12E0];
	vm1 =	vgt.s32 v12, v11;
	v60 =	vsel vm2, v16, v54;
	vm2 =	vgt.s32 v8, v55  }
0xd3: {  	[tilespmem:$0x1300] =	vst v5;
	v62 =	vld [tilespmem:$0x12F0];
	v5 =	vsel vm1, v12, v11;
	v8 =	vsel vm2, v8, v55;
	vm1 =	vgt.s32 v60, v56  }
0xd4: {  	[tilespmem:$0x1310] =	vst v4;
	v4 =	vsel vm1, v60, v56;
	vm1 =	vgt.s32 v5, v10;
	vm2 =	vgt.s32 v8, v57  }
0xd5: {  	[tilespmem:$0x1320] =	vst v6;
	v5 =	vsel vm1, v5, v10;
	v63 =	vsel vm2, v8, v57;
	vm1 =	vgt.s32 v4, v58  }
0xd6: {  	[tilespmem:$0x1330] =	vst v14;
	v4 =	vsel vm1, v4, v58;
	vm1 =	vgt.s32 v5, v9;
	vm2 =	vgt.s32 v63, v59  }
0xd7: {  	[tilespmem:$0x1340] =	vst v7;
	v5 =	vsel vm1, v5, v9;
	v6 =	vsel vm2, v63, v59;
	vm1 =	vgt.s32 v4, v61  }
0xd8: {  	v4 =	vsel vm1, v4, v61;
	[tilespmem:$0x1350] =	vst v5;
	vm1 =	vgt.s32 v6, v62  }
0xd9: {  	[tilespmem:$0x1360] =	vst v4;
	v4 =	vsel vm1, v6, v62  }
0xda: {  	[tilespmem:$0x1370] =	vst v4  }
0xdb: {  	[tilespmem:s18], [sflag:$0x1] =	stream.indirect.gather [hbm4b:s1+s13], $0x80, s17, s13, $0xb8;
	[tilespmem:$0x5B80] =	vst v63  }
0xdc: {  	s20 =	sadd.s32 $0x1, s20;
	_ =	swait.ge [sflag:s19], $0x4000  }
0xdd: {  	p0 =	sne.s32 s20, s9;
	[sflag:s19] =	ssyncset.done $0x0  }
.Ltmp2:
0xde: {  	[sflag:s19] =	ssyncadd.s32 $0xFFFFC000;
	(pc) =	sbr.rel @p0 .LBB2_1-.Ltmp2, $4  }
0xdf: {  	[hbm4b:s8+s3] =	stream.linear.scatter [tilespmem:s18], [sflag:$0x2], $0x4000, $0x38;
	[tilespmem:$0x5B80] =	vst v63  }
0xe0: {  	_ =	swait.ge [sflag:s11], $0x4000  }
0xe1: {  	[sflag:s11] =	ssyncset.done $0x0  }
0xe2: {  	[sflag:s11] =	ssyncadd.s32 $0xFFFFC000  }
0xe3: {  	_ =	sfence.sel $0x180000  }
0xe4: {  	[bflag:$0x0] =	sbarrier.arrive $0xFFFF  }
0xe5: {  	p0 =	sne.s32 s2, $0x0;
	_ =	strace $0x90000047  }
0xe6: {  	s0 =	sadd.s32 @!p0 $0x100000, s0;
	[bflag:$0x2] =	sbarrier.arrive $0xFFFF  }
0xe7: {  	[sflag:s0] =	ssyncadd.tile.s32 @!p0 $0x1;
	_ =	shalt  }
.Lfunc_end2:
_tile_overlayer_lowered:
.L_overlay_start_2:
0xe8: {  	(tag) =	ssettag $0x2  }
0xe9: {  	s0 =	rddreg [dreg:$0x0];
	s2 =	stileid.u32  }
0xea: {  	s1 =	rddreg [dreg:$0x1];
	p0 =	sne.s32 s2, $0x0  }
0xeb: {  	s3 =	rddreg [dreg:$0x2];
	[bflag:$0x3] =	sbarrier.arrive $0xFFFF;
	s2 =	simm.s32 @!p0 $0x1C02  }
0xec: {  	[timem:s3], [sflag:s2] =	dma.local @!p0 [hbm:s0], s1  }
0xed: {  	s0 =	simm.s32 @!p0 $0x2  }
0xee: {  	_ =	swait.ge @!p0 [sflag:s0], s1  }
0xef: {  	s1 =	ssub.s32 @!p0 $0x0, s1;
	[sflag:s0] =	ssyncset.done @!p0 $0x0  }
0xf0: {  	[sflag:s0] =	ssyncadd.s32 @!p0 s1  }
0xf1: {  	[bflag:$0x3] =	sbarrier.arrive $0xFFFF  }
0xf2: {  	_ =	shalt  }

</sc_bundles>
